<compile_context>
chip_gen: v7x
topology: tpu7x:2x2x1
jax: 0.10.2.dev20260603
libtpu: 0.0.44.dev20260713+nightly
codegen_flags: <defaults>
</compile_context>

<pallas_src>
import functools

import jax
import jax.numpy as jnp
from jax import lax
from jax.experimental import pallas as pl
from jax.experimental.pallas import tpu as pltpu
from jax.experimental.pallas import tpu_sc as plsc

_NS = 16
_LANES = 16


@functools.lru_cache(maxsize=None)
def _build_matvec(B, GS, blk=8192):
    def body(gst_ref, w_ref, b_ref, o_ref):
        o_ref[...] = jnp.sum(gst_ref[...] * w_ref[...], axis=0) + b_ref[0, 0]

    return pl.pallas_call(
        body,
        grid=(B // blk,),
        in_specs=[
            pl.BlockSpec((GS, blk), lambda i: (0, i)),
            pl.BlockSpec((GS, 1), lambda i: (0, 0)),
            pl.BlockSpec((1, 1), lambda i: (0, 0)),
        ],
        out_specs=pl.BlockSpec((blk,), lambda i: (i,)),
        out_shape=jax.ShapeDtypeStruct((B,), jnp.float32),
    )


@functools.lru_cache(maxsize=None)
def _build_combine(B):
    def body(g_ref, p_ref, o_ref):
        o_ref[...] = (g_ref[pl.ds(0, B)] + g_ref[pl.ds(B, B)]
                      + p_ref[...])

    return pl.pallas_call(
        body,
        out_shape=jax.ShapeDtypeStruct((B,), jnp.float32),
    )


@functools.lru_cache(maxsize=None)
def _build_sc(B, L, NP, nc=1):
    half = _NS // 2
    ngroups = nc * half
    bpg = B // ngroups
    nch = bpg // _LANES

    mesh = plsc.VectorSubcoreMesh(
        core_axis_name="c", subcore_axis_name="s",
        num_cores=nc, num_subcores=_NS)

    @functools.partial(
        pl.kernel,
        out_type=jax.ShapeDtypeStruct((2 * B,), jnp.float32),
        mesh=mesh,
        compiler_params=pltpu.CompilerParams(needs_layout_passes=False),
        scratch_types=[
            pltpu.VMEM((NP,), jnp.float32),
            pltpu.VMEM((L * bpg,), jnp.int32),
            pltpu.VMEM((bpg,), jnp.float32),
            pltpu.SemaphoreType.DMA,
            pltpu.SemaphoreType.DMA,
        ],
    )
    def run(otab_h, dtab_h, ids_h, out_h,
            tab_v, ids_v, psum_v, sem, sem2):
        c = lax.axis_index("c")
        s = lax.axis_index("s")
        is_off = s < half
        g = lax.rem(s, half)
        base = (c * half + g) * bpg
        obase = jnp.where(is_off, 0, B) + base

        ioffs = jnp.where(is_off, 0, L * B)

        pltpu.sync_copy(otab_h.at[pl.ds(0, 8)], psum_v.at[pl.ds(0, 8)])
        pltpu.sync_copy(dtab_h.at[pl.ds(0, 8)], psum_v.at[pl.ds(8, 8)])

        @pl.when(is_off)
        def _():
            pltpu.async_copy(otab_h, tab_v, sem)

        @pl.when(jnp.logical_not(is_off))
        def _():
            pltpu.async_copy(dtab_h, tab_v, sem)
        for l in range(L):
            pltpu.async_copy(ids_h.at[pl.ds(ioffs + l * B + base, bpg)],
                             ids_v.at[pl.ds(l * bpg, bpg)], sem2)
        for l in range(L):
            pltpu.make_async_copy(
                ids_h.at[pl.ds(ioffs + l * B + base, bpg)],
                ids_v.at[pl.ds(l * bpg, bpg)], sem2).wait()
        pltpu.make_async_copy(otab_h, tab_v, sem).wait()

        def chunk(i, carry):
            for u in range(8):
                col = pl.multiple_of(i * (8 * _LANES) + u * _LANES, _LANES)
                acc = plsc.load_gather(tab_v, [ids_v[pl.ds(col, _LANES)]])
                for l in range(1, L):
                    acc = acc + plsc.load_gather(
                        tab_v, [ids_v[pl.ds(l * bpg + col, _LANES)]])
                psum_v[pl.ds(col, _LANES)] = acc
            return carry

        lax.fori_loop(0, nch // 8, chunk, 0)

        pltpu.sync_copy(psum_v, out_h.at[pl.ds(obase, bpg)])

    return run


def kernel(offense_ids, defense_ids, offense_pos, defense_pos, gamestate,
           off_embed, def_embed, bias, gs_w):
    del offense_pos, defense_pos
    B, L = offense_ids.shape
    NP = off_embed.shape[0]
    GS = gamestate.shape[1]
    ids = jnp.concatenate(
        [offense_ids, defense_ids], axis=1).T.reshape(-1).astype(jnp.int32)
    g2 = _build_sc(B, L, NP)(
        off_embed.reshape(-1).astype(jnp.float32),
        def_embed.reshape(-1).astype(jnp.float32), ids)
    p = _build_matvec(B, GS)(
        gamestate.T.astype(jnp.float32),
        gs_w.astype(jnp.float32),
        bias.reshape(1, 1).astype(jnp.float32))
    return _build_combine(B)(g2, p)

# --- scband reference (transcript-rebuilt; emitter-appended) ---
"""Pipeline reference for scband-linear-rapm-14688788152505 (READ-ONLY COPY).

The authoritative reference and input builder live on the scoring server;
editing this copy changes nothing except your own understanding.
"""

import jax, jax.numpy as jnp
import numpy as np

NUM_PLAYERS = 100000
GS_DIM = 32
B = 16384
L = 5

def setup_inputs(seed: int = 0) -> dict:
    key = jax.random.key(seed)
    k1, k2, k3, k4, k5, k6 = jax.random.split(key, 6)
    offense_ids = jax.random.randint(k1, (B, L), 0, NUM_PLAYERS)
    defense_ids = jax.random.randint(k2, (B, L), 0, NUM_PLAYERS)
    offense_pos = jax.random.randint(k3, (B, L), 0, 5)
    defense_pos = jax.random.randint(k4, (B, L), 0, 5)
    gamestate = jax.random.normal(k5, (B, GS_DIM), dtype=jnp.float32)
    # Parameters (module initializes embeddings to zero; bias zero; gs_proj default init)
    off_embed = jnp.zeros((NUM_PLAYERS, 1), dtype=jnp.float32)
    def_embed = jnp.zeros((NUM_PLAYERS, 1), dtype=jnp.float32)
    bias = jnp.zeros((1,), dtype=jnp.float32)
    gs_w = jax.random.normal(k6, (GS_DIM, 1), dtype=jnp.float32) * 0.02
    return {"offense_ids": offense_ids, "defense_ids": defense_ids,
            "offense_pos": offense_pos, "defense_pos": defense_pos,
            "gamestate": gamestate, "off_embed": off_embed,
            "def_embed": def_embed, "bias": bias, "gs_w": gs_w}

def reference(offense_ids, defense_ids, offense_pos, defense_pos, gamestate, off_embed, def_embed, bias, gs_w):
    # off_embed(offense_ids): [B, L, 1] -> sum over lineup -> [B, 1] -> squeeze -> [B]
    off_val = jnp.take(off_embed, offense_ids, axis=0).sum(axis=1).squeeze(-1)
    def_val = jnp.take(def_embed, defense_ids, axis=0).sum(axis=1).squeeze(-1)
    mu = bias.squeeze() + off_val + def_val
    # gs_proj: Linear(gamestate_dim, 1, bias=False)
    mu = mu + (gamestate @ gs_w).squeeze(-1)
    return mu

if __name__ == "__main__":
    import jax
    _d = setup_inputs()
    print(jax.jit(kernel)(*tuple(_d.values())))

</pallas_src>

<mosaic_0001>
#map = affine_map<(d0, d1) -> (0)>
module attributes {stable_mosaic.version = 14 : i64} {
  func.func @run(%arg0: i32, %arg1: i32, %arg2: memref<100000xf32, #tpu.memory_space<hbm>>, %arg3: memref<100000xf32, #tpu.memory_space<hbm>>, %arg4: memref<163840xi32, #tpu.memory_space<hbm>>, %arg5: memref<32768xf32, #tpu.memory_space<hbm>>, %arg6: memref<100000xf32, #tpu.memory_space<vmem>>, %arg7: memref<10240xi32, #tpu.memory_space<vmem>>, %arg8: memref<2048xf32, #tpu.memory_space<vmem>>, %arg9: memref<!tpu.dma_semaphore, #tpu.memory_space<semaphore_mem>>, %arg10: memref<!tpu.dma_semaphore, #tpu.memory_space<semaphore_mem>>) attributes {dimension_semantics = [#tpu.dimension_semantics<core_parallel>, #tpu.dimension_semantics<subcore_parallel>], iteration_bounds = array<i64: 1, 16>, scalar_prefetch = 0 : i64, scratch_operands = 5 : i64, tpu.core_type = #tpu.core_type<sc_vector_subcore>, window_params = [{transform_indices = #map}, {transform_indices = #map}, {transform_indices = #map}, {transform_indices = #map}]} {
    %lt3A = arith.constant 8 : i32
    %lt3A_0 = arith.cmpi slt, %arg1, %lt3A : i32
    %rem3A = arith.constant 8 : i32
    %rem3A_1 = arith.remsi %arg1, %rem3A : i32
    %mul3A = arith.constant 8 : i32
    %mul3A_2 = arith.muli %arg0, %mul3A : i32
    %add3A = arith.addi %mul3A_2, %rem3A_1 : i32
    %mul3A_3 = arith.constant 2048 : i32
    %mul3A_4 = arith.muli %add3A, %mul3A_3 : i32
    %jit3A = arith.constant 0 : i32
    %jit3A_5 = arith.constant 16384 : i32
    %select_n3A = arith.select %lt3A_0, %jit3A, %jit3A_5 : i32
    %add3A_6 = arith.addi %select_n3A, %mul3A_4 : i32
    %jit3A_7 = arith.constant 0 : i32
    %jit3A_8 = arith.constant 81920 : i32
    %select_n3A_9 = arith.select %lt3A_0, %jit3A_7, %jit3A_8 : i32
    "tpu.region"() ({
      %run_scoped3A = tpu.sem_alloc : memref<!tpu.dma_semaphore, #tpu.memory_space<semaphore_mem>>
      %dma_start3A_108 = arith.constant 0 : i32
      %dma_start3A_109 = tpu.memref_slice %arg8[%dma_start3A_108] : memref<2048xf32, #tpu.memory_space<vmem>> -> memref<8xf32, #tpu.memory_space<vmem>>
      %dma_start3A_110 = arith.constant 0 : i32
      %dma_start3A_111 = tpu.memref_slice %arg2[%dma_start3A_110] : memref<100000xf32, #tpu.memory_space<hbm>> -> memref<8xf32, #tpu.memory_space<hbm>>
      %dma_start3A_112 = arith.constant 0 : i32
      %dma_start3A_113 = tpu.memref_slice %arg8[%dma_start3A_112] : memref<2048xf32, #tpu.memory_space<vmem>> -> memref<8xf32, #tpu.memory_space<vmem>>
      %dma_start3A_114 = arith.constant 0 : i32
      %dma_start3A_115 = tpu.memref_slice %arg2[%dma_start3A_114] : memref<100000xf32, #tpu.memory_space<hbm>> -> memref<8xf32, #tpu.memory_space<hbm>>
      tpu.enqueue_dma source(%dma_start3A_115 : memref<8xf32, #tpu.memory_space<hbm>>) target(%dma_start3A_113 : memref<8xf32, #tpu.memory_space<vmem>>) target_semaphore(%run_scoped3A : memref<!tpu.dma_semaphore, #tpu.memory_space<semaphore_mem>>)
      %dma_wait3A_116 = arith.constant 0 : i32
      %dma_wait3A_117 = tpu.memref_slice %arg8[%dma_wait3A_116] : memref<2048xf32, #tpu.memory_space<vmem>> -> memref<8xf32, #tpu.memory_space<vmem>>
      %dma_wait3A_118 = arith.constant 0 : i32
      %dma_wait3A_119 = tpu.memref_slice %arg2[%dma_wait3A_118] : memref<100000xf32, #tpu.memory_space<hbm>> -> memref<8xf32, #tpu.memory_space<hbm>>
      %dma_wait3A_120 = arith.constant 0 : i32
      %dma_wait3A_121 = tpu.memref_slice %arg8[%dma_wait3A_120] : memref<2048xf32, #tpu.memory_space<vmem>> -> memref<8xf32, #tpu.memory_space<vmem>>
      %dma_wait3A_122 = arith.constant 0 : i32
      %dma_wait3A_123 = tpu.memref_slice %arg2[%dma_wait3A_122] : memref<100000xf32, #tpu.memory_space<hbm>> -> memref<8xf32, #tpu.memory_space<hbm>>
      tpu.wait_dma2 semaphore(%run_scoped3A : memref<!tpu.dma_semaphore, #tpu.memory_space<semaphore_mem>>) src(%dma_wait3A_123 : memref<8xf32, #tpu.memory_space<hbm>>) dst(%dma_wait3A_121 : memref<8xf32, #tpu.memory_space<vmem>>)
      tpu.yield
    }) : () -> ()
    "tpu.region"() ({
      %run_scoped3A = tpu.sem_alloc : memref<!tpu.dma_semaphore, #tpu.memory_space<semaphore_mem>>
      %dma_start3A_108 = arith.constant 8 : i32
      %dma_start3A_109 = tpu.memref_slice %arg8[%dma_start3A_108] : memref<2048xf32, #tpu.memory_space<vmem>> -> memref<8xf32, #tpu.memory_space<vmem>>
      %dma_start3A_110 = arith.constant 0 : i32
      %dma_start3A_111 = tpu.memref_slice %arg3[%dma_start3A_110] : memref<100000xf32, #tpu.memory_space<hbm>> -> memref<8xf32, #tpu.memory_space<hbm>>
      %dma_start3A_112 = arith.constant 8 : i32
      %dma_start3A_113 = tpu.memref_slice %arg8[%dma_start3A_112] : memref<2048xf32, #tpu.memory_space<vmem>> -> memref<8xf32, #tpu.memory_space<vmem>>
      %dma_start3A_114 = arith.constant 0 : i32
      %dma_start3A_115 = tpu.memref_slice %arg3[%dma_start3A_114] : memref<100000xf32, #tpu.memory_space<hbm>> -> memref<8xf32, #tpu.memory_space<hbm>>
      tpu.enqueue_dma source(%dma_start3A_115 : memref<8xf32, #tpu.memory_space<hbm>>) target(%dma_start3A_113 : memref<8xf32, #tpu.memory_space<vmem>>) target_semaphore(%run_scoped3A : memref<!tpu.dma_semaphore, #tpu.memory_space<semaphore_mem>>)
      %dma_wait3A_116 = arith.constant 8 : i32
      %dma_wait3A_117 = tpu.memref_slice %arg8[%dma_wait3A_116] : memref<2048xf32, #tpu.memory_space<vmem>> -> memref<8xf32, #tpu.memory_space<vmem>>
      %dma_wait3A_118 = arith.constant 0 : i32
      %dma_wait3A_119 = tpu.memref_slice %arg3[%dma_wait3A_118] : memref<100000xf32, #tpu.memory_space<hbm>> -> memref<8xf32, #tpu.memory_space<hbm>>
      %dma_wait3A_120 = arith.constant 8 : i32
      %dma_wait3A_121 = tpu.memref_slice %arg8[%dma_wait3A_120] : memref<2048xf32, #tpu.memory_space<vmem>> -> memref<8xf32, #tpu.memory_space<vmem>>
      %dma_wait3A_122 = arith.constant 0 : i32
      %dma_wait3A_123 = tpu.memref_slice %arg3[%dma_wait3A_122] : memref<100000xf32, #tpu.memory_space<hbm>> -> memref<8xf32, #tpu.memory_space<hbm>>
      tpu.wait_dma2 semaphore(%run_scoped3A : memref<!tpu.dma_semaphore, #tpu.memory_space<semaphore_mem>>) src(%dma_wait3A_123 : memref<8xf32, #tpu.memory_space<hbm>>) dst(%dma_wait3A_121 : memref<8xf32, #tpu.memory_space<vmem>>)
      tpu.yield
    }) : () -> ()
    %convert_element_type3A = arith.extui %lt3A_0 : i1 to i32
    %cond3A = arith.constant 0 : i32
    %cond3A_10 = arith.cmpi ne, %convert_element_type3A, %cond3A : i32
    scf.if %cond3A_10 {
      tpu.enqueue_dma source(%arg2 : memref<100000xf32, #tpu.memory_space<hbm>>) target(%arg6 : memref<100000xf32, #tpu.memory_space<vmem>>) target_semaphore(%arg9 : memref<!tpu.dma_semaphore, #tpu.memory_space<semaphore_mem>>)
    } else {
    }
    %not3A = arith.constant true
    %not3A_11 = arith.xori %lt3A_0, %not3A : i1
    %convert_element_type3A_12 = arith.extui %not3A_11 : i1 to i32
    %cond3A_13 = arith.constant 0 : i32
    %cond3A_14 = arith.cmpi ne, %convert_element_type3A_12, %cond3A_13 : i32
    scf.if %cond3A_14 {
      tpu.enqueue_dma source(%arg3 : memref<100000xf32, #tpu.memory_space<hbm>>) target(%arg6 : memref<100000xf32, #tpu.memory_space<vmem>>) target_semaphore(%arg9 : memref<!tpu.dma_semaphore, #tpu.memory_space<semaphore_mem>>)
    } else {
    }
    %add3A_15 = arith.constant 0 : i32
    %add3A_16 = arith.addi %select_n3A_9, %add3A_15 : i32
    %add3A_17 = arith.addi %add3A_16, %mul3A_4 : i32
    %dma_start3A = arith.constant 0 : i32
    %dma_start3A_18 = tpu.memref_slice %arg7[%dma_start3A] : memref<10240xi32, #tpu.memory_space<vmem>> -> memref<2048xi32, #tpu.memory_space<vmem>>
    %dma_start3A_19 = tpu.memref_slice %arg4[%add3A_17] : memref<163840xi32, #tpu.memory_space<hbm>> -> memref<2048xi32, #tpu.memory_space<hbm>>
    %dma_start3A_20 = arith.constant 0 : i32
    %dma_start3A_21 = tpu.memref_slice %arg7[%dma_start3A_20] : memref<10240xi32, #tpu.memory_space<vmem>> -> memref<2048xi32, #tpu.memory_space<vmem>>
    %dma_start3A_22 = tpu.memref_slice %arg4[%add3A_17] : memref<163840xi32, #tpu.memory_space<hbm>> -> memref<2048xi32, #tpu.memory_space<hbm>>
    tpu.enqueue_dma source(%dma_start3A_22 : memref<2048xi32, #tpu.memory_space<hbm>>) target(%dma_start3A_21 : memref<2048xi32, #tpu.memory_space<vmem>>) target_semaphore(%arg10 : memref<!tpu.dma_semaphore, #tpu.memory_space<semaphore_mem>>)
    %add3A_23 = arith.constant 16384 : i32
    %add3A_24 = arith.addi %select_n3A_9, %add3A_23 : i32
    %add3A_25 = arith.addi %add3A_24, %mul3A_4 : i32
    %dma_start3A_26 = arith.constant 2048 : i32
    %dma_start3A_27 = tpu.memref_slice %arg7[%dma_start3A_26] : memref<10240xi32, #tpu.memory_space<vmem>> -> memref<2048xi32, #tpu.memory_space<vmem>>
    %dma_start3A_28 = tpu.memref_slice %arg4[%add3A_25] : memref<163840xi32, #tpu.memory_space<hbm>> -> memref<2048xi32, #tpu.memory_space<hbm>>
    %dma_start3A_29 = arith.constant 2048 : i32
    %dma_start3A_30 = tpu.memref_slice %arg7[%dma_start3A_29] : memref<10240xi32, #tpu.memory_space<vmem>> -> memref<2048xi32, #tpu.memory_space<vmem>>
    %dma_start3A_31 = tpu.memref_slice %arg4[%add3A_25] : memref<163840xi32, #tpu.memory_space<hbm>> -> memref<2048xi32, #tpu.memory_space<hbm>>
    tpu.enqueue_dma source(%dma_start3A_31 : memref<2048xi32, #tpu.memory_space<hbm>>) target(%dma_start3A_30 : memref<2048xi32, #tpu.memory_space<vmem>>) target_semaphore(%arg10 : memref<!tpu.dma_semaphore, #tpu.memory_space<semaphore_mem>>)
    %add3A_32 = arith.constant 32768 : i32
    %add3A_33 = arith.addi %select_n3A_9, %add3A_32 : i32
    %add3A_34 = arith.addi %add3A_33, %mul3A_4 : i32
    %dma_start3A_35 = arith.constant 4096 : i32
    %dma_start3A_36 = tpu.memref_slice %arg7[%dma_start3A_35] : memref<10240xi32, #tpu.memory_space<vmem>> -> memref<2048xi32, #tpu.memory_space<vmem>>
    %dma_start3A_37 = tpu.memref_slice %arg4[%add3A_34] : memref<163840xi32, #tpu.memory_space<hbm>> -> memref<2048xi32, #tpu.memory_space<hbm>>
    %dma_start3A_38 = arith.constant 4096 : i32
    %dma_start3A_39 = tpu.memref_slice %arg7[%dma_start3A_38] : memref<10240xi32, #tpu.memory_space<vmem>> -> memref<2048xi32, #tpu.memory_space<vmem>>
    %dma_start3A_40 = tpu.memref_slice %arg4[%add3A_34] : memref<163840xi32, #tpu.memory_space<hbm>> -> memref<2048xi32, #tpu.memory_space<hbm>>
    tpu.enqueue_dma source(%dma_start3A_40 : memref<2048xi32, #tpu.memory_space<hbm>>) target(%dma_start3A_39 : memref<2048xi32, #tpu.memory_space<vmem>>) target_semaphore(%arg10 : memref<!tpu.dma_semaphore, #tpu.memory_space<semaphore_mem>>)
    %add3A_41 = arith.constant 49152 : i32
    %add3A_42 = arith.addi %select_n3A_9, %add3A_41 : i32
    %add3A_43 = arith.addi %add3A_42, %mul3A_4 : i32
    %dma_start3A_44 = arith.constant 6144 : i32
    %dma_start3A_45 = tpu.memref_slice %arg7[%dma_start3A_44] : memref<10240xi32, #tpu.memory_space<vmem>> -> memref<2048xi32, #tpu.memory_space<vmem>>
    %dma_start3A_46 = tpu.memref_slice %arg4[%add3A_43] : memref<163840xi32, #tpu.memory_space<hbm>> -> memref<2048xi32, #tpu.memory_space<hbm>>
    %dma_start3A_47 = arith.constant 6144 : i32
    %dma_start3A_48 = tpu.memref_slice %arg7[%dma_start3A_47] : memref<10240xi32, #tpu.memory_space<vmem>> -> memref<2048xi32, #tpu.memory_space<vmem>>
    %dma_start3A_49 = tpu.memref_slice %arg4[%add3A_43] : memref<163840xi32, #tpu.memory_space<hbm>> -> memref<2048xi32, #tpu.memory_space<hbm>>
    tpu.enqueue_dma source(%dma_start3A_49 : memref<2048xi32, #tpu.memory_space<hbm>>) target(%dma_start3A_48 : memref<2048xi32, #tpu.memory_space<vmem>>) target_semaphore(%arg10 : memref<!tpu.dma_semaphore, #tpu.memory_space<semaphore_mem>>)
    %add3A_50 = arith.constant 65536 : i32
    %add3A_51 = arith.addi %select_n3A_9, %add3A_50 : i32
    %add3A_52 = arith.addi %add3A_51, %mul3A_4 : i32
    %dma_start3A_53 = arith.constant 8192 : i32
    %dma_start3A_54 = tpu.memref_slice %arg7[%dma_start3A_53] : memref<10240xi32, #tpu.memory_space<vmem>> -> memref<2048xi32, #tpu.memory_space<vmem>>
    %dma_start3A_55 = tpu.memref_slice %arg4[%add3A_52] : memref<163840xi32, #tpu.memory_space<hbm>> -> memref<2048xi32, #tpu.memory_space<hbm>>
    %dma_start3A_56 = arith.constant 8192 : i32
    %dma_start3A_57 = tpu.memref_slice %arg7[%dma_start3A_56] : memref<10240xi32, #tpu.memory_space<vmem>> -> memref<2048xi32, #tpu.memory_space<vmem>>
    %dma_start3A_58 = tpu.memref_slice %arg4[%add3A_52] : memref<163840xi32, #tpu.memory_space<hbm>> -> memref<2048xi32, #tpu.memory_space<hbm>>
    tpu.enqueue_dma source(%dma_start3A_58 : memref<2048xi32, #tpu.memory_space<hbm>>) target(%dma_start3A_57 : memref<2048xi32, #tpu.memory_space<vmem>>) target_semaphore(%arg10 : memref<!tpu.dma_semaphore, #tpu.memory_space<semaphore_mem>>)
    %add3A_59 = arith.constant 0 : i32
    %add3A_60 = arith.addi %select_n3A_9, %add3A_59 : i32
    %add3A_61 = arith.addi %add3A_60, %mul3A_4 : i32
    %dma_wait3A = arith.constant 0 : i32
    %dma_wait3A_62 = tpu.memref_slice %arg7[%dma_wait3A] : memref<10240xi32, #tpu.memory_space<vmem>> -> memref<2048xi32, #tpu.memory_space<vmem>>
    %dma_wait3A_63 = tpu.memref_slice %arg4[%add3A_61] : memref<163840xi32, #tpu.memory_space<hbm>> -> memref<2048xi32, #tpu.memory_space<hbm>>
    %dma_wait3A_64 = arith.constant 0 : i32
    %dma_wait3A_65 = tpu.memref_slice %arg7[%dma_wait3A_64] : memref<10240xi32, #tpu.memory_space<vmem>> -> memref<2048xi32, #tpu.memory_space<vmem>>
    %dma_wait3A_66 = tpu.memref_slice %arg4[%add3A_61] : memref<163840xi32, #tpu.memory_space<hbm>> -> memref<2048xi32, #tpu.memory_space<hbm>>
    tpu.wait_dma2 semaphore(%arg10 : memref<!tpu.dma_semaphore, #tpu.memory_space<semaphore_mem>>) src(%dma_wait3A_66 : memref<2048xi32, #tpu.memory_space<hbm>>) dst(%dma_wait3A_65 : memref<2048xi32, #tpu.memory_space<vmem>>)
    %add3A_67 = arith.constant 16384 : i32
    %add3A_68 = arith.addi %select_n3A_9, %add3A_67 : i32
    %add3A_69 = arith.addi %add3A_68, %mul3A_4 : i32
    %dma_wait3A_70 = arith.constant 2048 : i32
    %dma_wait3A_71 = tpu.memref_slice %arg7[%dma_wait3A_70] : memref<10240xi32, #tpu.memory_space<vmem>> -> memref<2048xi32, #tpu.memory_space<vmem>>
    %dma_wait3A_72 = tpu.memref_slice %arg4[%add3A_69] : memref<163840xi32, #tpu.memory_space<hbm>> -> memref<2048xi32, #tpu.memory_space<hbm>>
    %dma_wait3A_73 = arith.constant 2048 : i32
    %dma_wait3A_74 = tpu.memref_slice %arg7[%dma_wait3A_73] : memref<10240xi32, #tpu.memory_space<vmem>> -> memref<2048xi32, #tpu.memory_space<vmem>>
    %dma_wait3A_75 = tpu.memref_slice %arg4[%add3A_69] : memref<163840xi32, #tpu.memory_space<hbm>> -> memref<2048xi32, #tpu.memory_space<hbm>>
    tpu.wait_dma2 semaphore(%arg10 : memref<!tpu.dma_semaphore, #tpu.memory_space<semaphore_mem>>) src(%dma_wait3A_75 : memref<2048xi32, #tpu.memory_space<hbm>>) dst(%dma_wait3A_74 : memref<2048xi32, #tpu.memory_space<vmem>>)
    %add3A_76 = arith.constant 32768 : i32
    %add3A_77 = arith.addi %select_n3A_9, %add3A_76 : i32
    %add3A_78 = arith.addi %add3A_77, %mul3A_4 : i32
    %dma_wait3A_79 = arith.constant 4096 : i32
    %dma_wait3A_80 = tpu.memref_slice %arg7[%dma_wait3A_79] : memref<10240xi32, #tpu.memory_space<vmem>> -> memref<2048xi32, #tpu.memory_space<vmem>>
    %dma_wait3A_81 = tpu.memref_slice %arg4[%add3A_78] : memref<163840xi32, #tpu.memory_space<hbm>> -> memref<2048xi32, #tpu.memory_space<hbm>>
    %dma_wait3A_82 = arith.constant 4096 : i32
    %dma_wait3A_83 = tpu.memref_slice %arg7[%dma_wait3A_82] : memref<10240xi32, #tpu.memory_space<vmem>> -> memref<2048xi32, #tpu.memory_space<vmem>>
    %dma_wait3A_84 = tpu.memref_slice %arg4[%add3A_78] : memref<163840xi32, #tpu.memory_space<hbm>> -> memref<2048xi32, #tpu.memory_space<hbm>>
    tpu.wait_dma2 semaphore(%arg10 : memref<!tpu.dma_semaphore, #tpu.memory_space<semaphore_mem>>) src(%dma_wait3A_84 : memref<2048xi32, #tpu.memory_space<hbm>>) dst(%dma_wait3A_83 : memref<2048xi32, #tpu.memory_space<vmem>>)
    %add3A_85 = arith.constant 49152 : i32
    %add3A_86 = arith.addi %select_n3A_9, %add3A_85 : i32
    %add3A_87 = arith.addi %add3A_86, %mul3A_4 : i32
    %dma_wait3A_88 = arith.constant 6144 : i32
    %dma_wait3A_89 = tpu.memref_slice %arg7[%dma_wait3A_88] : memref<10240xi32, #tpu.memory_space<vmem>> -> memref<2048xi32, #tpu.memory_space<vmem>>
    %dma_wait3A_90 = tpu.memref_slice %arg4[%add3A_87] : memref<163840xi32, #tpu.memory_space<hbm>> -> memref<2048xi32, #tpu.memory_space<hbm>>
    %dma_wait3A_91 = arith.constant 6144 : i32
    %dma_wait3A_92 = tpu.memref_slice %arg7[%dma_wait3A_91] : memref<10240xi32, #tpu.memory_space<vmem>> -> memref<2048xi32, #tpu.memory_space<vmem>>
    %dma_wait3A_93 = tpu.memref_slice %arg4[%add3A_87] : memref<163840xi32, #tpu.memory_space<hbm>> -> memref<2048xi32, #tpu.memory_space<hbm>>
    tpu.wait_dma2 semaphore(%arg10 : memref<!tpu.dma_semaphore, #tpu.memory_space<semaphore_mem>>) src(%dma_wait3A_93 : memref<2048xi32, #tpu.memory_space<hbm>>) dst(%dma_wait3A_92 : memref<2048xi32, #tpu.memory_space<vmem>>)
    %add3A_94 = arith.constant 65536 : i32
    %add3A_95 = arith.addi %select_n3A_9, %add3A_94 : i32
    %add3A_96 = arith.addi %add3A_95, %mul3A_4 : i32
    %dma_wait3A_97 = arith.constant 8192 : i32
    %dma_wait3A_98 = tpu.memref_slice %arg7[%dma_wait3A_97] : memref<10240xi32, #tpu.memory_space<vmem>> -> memref<2048xi32, #tpu.memory_space<vmem>>
    %dma_wait3A_99 = tpu.memref_slice %arg4[%add3A_96] : memref<163840xi32, #tpu.memory_space<hbm>> -> memref<2048xi32, #tpu.memory_space<hbm>>
    %dma_wait3A_100 = arith.constant 8192 : i32
    %dma_wait3A_101 = tpu.memref_slice %arg7[%dma_wait3A_100] : memref<10240xi32, #tpu.memory_space<vmem>> -> memref<2048xi32, #tpu.memory_space<vmem>>
    %dma_wait3A_102 = tpu.memref_slice %arg4[%add3A_96] : memref<163840xi32, #tpu.memory_space<hbm>> -> memref<2048xi32, #tpu.memory_space<hbm>>
    tpu.wait_dma2 semaphore(%arg10 : memref<!tpu.dma_semaphore, #tpu.memory_space<semaphore_mem>>) src(%dma_wait3A_102 : memref<2048xi32, #tpu.memory_space<hbm>>) dst(%dma_wait3A_101 : memref<2048xi32, #tpu.memory_space<vmem>>)
    tpu.wait_dma2 semaphore(%arg9 : memref<!tpu.dma_semaphore, #tpu.memory_space<semaphore_mem>>) src(%arg2 : memref<100000xf32, #tpu.memory_space<hbm>>) dst(%arg6 : memref<100000xf32, #tpu.memory_space<vmem>>)
    %scan3A = arith.constant 0 : i32
    %scan3A_103 = arith.constant 0 : i32
    %scan3A_104 = arith.constant 16 : i32
    %scan3A_105 = arith.addi %scan3A_103, %scan3A_104 : i32
    %scan3A_106 = arith.constant 1 : i32
    scf.for %scan3A_108 = %scan3A_103 to %scan3A_105 step %scan3A_106  : i32 {
      %mul3A_109 = arith.constant 128 : i32
      %mul3A_110 = arith.muli %scan3A_108, %mul3A_109 : i32
      %add3A_111 = arith.constant 0 : i32
      %add3A_112 = arith.addi %mul3A_110, %add3A_111 : i32
      %multiple_of3A = tpu.assume_multiple %add3A_112, 16 : i32
      %get3A = arith.index_cast %multiple_of3A : i32 to index
      %get3A_113 = tpu.vector_load %arg7[%get3A] {strides = array<i32>} : memref<10240xi32, #tpu.memory_space<vmem>>, vector<16xi32>,
      %gather3A = tpu.vector_load_idx %arg6[%get3A_113] : memref<100000xf32, #tpu.memory_space<vmem>>[vector<16xi32>], vector<16xf32>,
      %add3A_114 = arith.constant 2048 : i32
      %add3A_115 = arith.addi %add3A_114, %multiple_of3A : i32
      %get3A_116 = arith.index_cast %add3A_115 : i32 to index
      %get3A_117 = tpu.vector_load %arg7[%get3A_116] {strides = array<i32>} : memref<10240xi32, #tpu.memory_space<vmem>>, vector<16xi32>,
      %gather3A_118 = tpu.vector_load_idx %arg6[%get3A_117] : memref<100000xf32, #tpu.memory_space<vmem>>[vector<16xi32>], vector<16xf32>,
      %add3A_119 = arith.addf %gather3A, %gather3A_118 : vector<16xf32>
      %add3A_120 = arith.constant 4096 : i32
      %add3A_121 = arith.addi %add3A_120, %multiple_of3A : i32
      %get3A_122 = arith.index_cast %add3A_121 : i32 to index
      %get3A_123 = tpu.vector_load %arg7[%get3A_122] {strides = array<i32>} : memref<10240xi32, #tpu.memory_space<vmem>>, vector<16xi32>,
      %gather3A_124 = tpu.vector_load_idx %arg6[%get3A_123] : memref<100000xf32, #tpu.memory_space<vmem>>[vector<16xi32>], vector<16xf32>,
      %add3A_125 = arith.addf %add3A_119, %gather3A_124 : vector<16xf32>
      %add3A_126 = arith.constant 6144 : i32
      %add3A_127 = arith.addi %add3A_126, %multiple_of3A : i32
      %get3A_128 = arith.index_cast %add3A_127 : i32 to index
      %get3A_129 = tpu.vector_load %arg7[%get3A_128] {strides = array<i32>} : memref<10240xi32, #tpu.memory_space<vmem>>, vector<16xi32>,
      %gather3A_130 = tpu.vector_load_idx %arg6[%get3A_129] : memref<100000xf32, #tpu.memory_space<vmem>>[vector<16xi32>], vector<16xf32>,
      %add3A_131 = arith.addf %add3A_125, %gather3A_130 : vector<16xf32>
      %add3A_132 = arith.constant 8192 : i32
      %add3A_133 = arith.addi %add3A_132, %multiple_of3A : i32
      %get3A_134 = arith.index_cast %add3A_133 : i32 to index
      %get3A_135 = tpu.vector_load %arg7[%get3A_134] {strides = array<i32>} : memref<10240xi32, #tpu.memory_space<vmem>>, vector<16xi32>,
      %gather3A_136 = tpu.vector_load_idx %arg6[%get3A_135] : memref<100000xf32, #tpu.memory_space<vmem>>[vector<16xi32>], vector<16xf32>,
      %add3A_137 = arith.addf %add3A_131, %gather3A_136 : vector<16xf32>
      %swap3A = arith.index_cast %multiple_of3A : i32 to index
      %swap3A_138 = tpu.vector_load %arg8[%swap3A] {strides = array<i32>} : memref<2048xf32, #tpu.memory_space<vmem>>, vector<16xf32>,
      tpu.vector_store %arg8[%swap3A], %add3A_137 {strides = array<i32>} : memref<2048xf32, #tpu.memory_space<vmem>>, vector<16xf32>,
      %mul3A_139 = arith.constant 128 : i32
      %mul3A_140 = arith.muli %scan3A_108, %mul3A_139 : i32
      %add3A_141 = arith.constant 16 : i32
      %add3A_142 = arith.addi %mul3A_140, %add3A_141 : i32
      %multiple_of3A_143 = tpu.assume_multiple %add3A_142, 16 : i32
      %get3A_144 = arith.index_cast %multiple_of3A_143 : i32 to index
      %get3A_145 = tpu.vector_load %arg7[%get3A_144] {strides = array<i32>} : memref<10240xi32, #tpu.memory_space<vmem>>, vector<16xi32>,
      %gather3A_146 = tpu.vector_load_idx %arg6[%get3A_145] : memref<100000xf32, #tpu.memory_space<vmem>>[vector<16xi32>], vector<16xf32>,
      %add3A_147 = arith.constant 2048 : i32
      %add3A_148 = arith.addi %add3A_147, %multiple_of3A_143 : i32
      %get3A_149 = arith.index_cast %add3A_148 : i32 to index
      %get3A_150 = tpu.vector_load %arg7[%get3A_149] {strides = array<i32>} : memref<10240xi32, #tpu.memory_space<vmem>>, vector<16xi32>,
      %gather3A_151 = tpu.vector_load_idx %arg6[%get3A_150] : memref<100000xf32, #tpu.memory_space<vmem>>[vector<16xi32>], vector<16xf32>,
      %add3A_152 = arith.addf %gather3A_146, %gather3A_151 : vector<16xf32>
      %add3A_153 = arith.constant 4096 : i32
      %add3A_154 = arith.addi %add3A_153, %multiple_of3A_143 : i32
      %get3A_155 = arith.index_cast %add3A_154 : i32 to index
      %get3A_156 = tpu.vector_load %arg7[%get3A_155] {strides = array<i32>} : memref<10240xi32, #tpu.memory_space<vmem>>, vector<16xi32>,
      %gather3A_157 = tpu.vector_load_idx %arg6[%get3A_156] : memref<100000xf32, #tpu.memory_space<vmem>>[vector<16xi32>], vector<16xf32>,
      %add3A_158 = arith.addf %add3A_152, %gather3A_157 : vector<16xf32>
      %add3A_159 = arith.constant 6144 : i32
      %add3A_160 = arith.addi %add3A_159, %multiple_of3A_143 : i32
      %get3A_161 = arith.index_cast %add3A_160 : i32 to index
      %get3A_162 = tpu.vector_load %arg7[%get3A_161] {strides = array<i32>} : memref<10240xi32, #tpu.memory_space<vmem>>, vector<16xi32>,
      %gather3A_163 = tpu.vector_load_idx %arg6[%get3A_162] : memref<100000xf32, #tpu.memory_space<vmem>>[vector<16xi32>], vector<16xf32>,
      %add3A_164 = arith.addf %add3A_158, %gather3A_163 : vector<16xf32>
      %add3A_165 = arith.constant 8192 : i32
      %add3A_166 = arith.addi %add3A_165, %multiple_of3A_143 : i32
      %get3A_167 = arith.index_cast %add3A_166 : i32 to index
      %get3A_168 = tpu.vector_load %arg7[%get3A_167] {strides = array<i32>} : memref<10240xi32, #tpu.memory_space<vmem>>, vector<16xi32>,
      %gather3A_169 = tpu.vector_load_idx %arg6[%get3A_168] : memref<100000xf32, #tpu.memory_space<vmem>>[vector<16xi32>], vector<16xf32>,
      %add3A_170 = arith.addf %add3A_164, %gather3A_169 : vector<16xf32>
      %swap3A_171 = arith.index_cast %multiple_of3A_143 : i32 to index
      %swap3A_172 = tpu.vector_load %arg8[%swap3A_171] {strides = array<i32>} : memref<2048xf32, #tpu.memory_space<vmem>>, vector<16xf32>,
      tpu.vector_store %arg8[%swap3A_171], %add3A_170 {strides = array<i32>} : memref<2048xf32, #tpu.memory_space<vmem>>, vector<16xf32>,
      %mul3A_173 = arith.constant 128 : i32
      %mul3A_174 = arith.muli %scan3A_108, %mul3A_173 : i32
      %add3A_175 = arith.constant 32 : i32
      %add3A_176 = arith.addi %mul3A_174, %add3A_175 : i32
      %multiple_of3A_177 = tpu.assume_multiple %add3A_176, 16 : i32
      %get3A_178 = arith.index_cast %multiple_of3A_177 : i32 to index
      %get3A_179 = tpu.vector_load %arg7[%get3A_178] {strides = array<i32>} : memref<10240xi32, #tpu.memory_space<vmem>>, vector<16xi32>,
      %gather3A_180 = tpu.vector_load_idx %arg6[%get3A_179] : memref<100000xf32, #tpu.memory_space<vmem>>[vector<16xi32>], vector<16xf32>,
      %add3A_181 = arith.constant 2048 : i32
      %add3A_182 = arith.addi %add3A_181, %multiple_of3A_177 : i32
      %get3A_183 = arith.index_cast %add3A_182 : i32 to index
      %get3A_184 = tpu.vector_load %arg7[%get3A_183] {strides = array<i32>} : memref<10240xi32, #tpu.memory_space<vmem>>, vector<16xi32>,
      %gather3A_185 = tpu.vector_load_idx %arg6[%get3A_184] : memref<100000xf32, #tpu.memory_space<vmem>>[vector<16xi32>], vector<16xf32>,
      %add3A_186 = arith.addf %gather3A_180, %gather3A_185 : vector<16xf32>
      %add3A_187 = arith.constant 4096 : i32
      %add3A_188 = arith.addi %add3A_187, %multiple_of3A_177 : i32
      %get3A_189 = arith.index_cast %add3A_188 : i32 to index
      %get3A_190 = tpu.vector_load %arg7[%get3A_189] {strides = array<i32>} : memref<10240xi32, #tpu.memory_space<vmem>>, vector<16xi32>,
      %gather3A_191 = tpu.vector_load_idx %arg6[%get3A_190] : memref<100000xf32, #tpu.memory_space<vmem>>[vector<16xi32>], vector<16xf32>,
      %add3A_192 = arith.addf %add3A_186, %gather3A_191 : vector<16xf32>
      %add3A_193 = arith.constant 6144 : i32
      %add3A_194 = arith.addi %add3A_193, %multiple_of3A_177 : i32
      %get3A_195 = arith.index_cast %add3A_194 : i32 to index
      %get3A_196 = tpu.vector_load %arg7[%get3A_195] {strides = array<i32>} : memref<10240xi32, #tpu.memory_space<vmem>>, vector<16xi32>,
      %gather3A_197 = tpu.vector_load_idx %arg6[%get3A_196] : memref<100000xf32, #tpu.memory_space<vmem>>[vector<16xi32>], vector<16xf32>,
      %add3A_198 = arith.addf %add3A_192, %gather3A_197 : vector<16xf32>
      %add3A_199 = arith.constant 8192 : i32
      %add3A_200 = arith.addi %add3A_199, %multiple_of3A_177 : i32
      %get3A_201 = arith.index_cast %add3A_200 : i32 to index
      %get3A_202 = tpu.vector_load %arg7[%get3A_201] {strides = array<i32>} : memref<10240xi32, #tpu.memory_space<vmem>>, vector<16xi32>,
      %gather3A_203 = tpu.vector_load_idx %arg6[%get3A_202] : memref<100000xf32, #tpu.memory_space<vmem>>[vector<16xi32>], vector<16xf32>,
      %add3A_204 = arith.addf %add3A_198, %gather3A_203 : vector<16xf32>
      %swap3A_205 = arith.index_cast %multiple_of3A_177 : i32 to index
      %swap3A_206 = tpu.vector_load %arg8[%swap3A_205] {strides = array<i32>} : memref<2048xf32, #tpu.memory_space<vmem>>, vector<16xf32>,
      tpu.vector_store %arg8[%swap3A_205], %add3A_204 {strides = array<i32>} : memref<2048xf32, #tpu.memory_space<vmem>>, vector<16xf32>,
      %mul3A_207 = arith.constant 128 : i32
      %mul3A_208 = arith.muli %scan3A_108, %mul3A_207 : i32
      %add3A_209 = arith.constant 48 : i32
      %add3A_210 = arith.addi %mul3A_208, %add3A_209 : i32
      %multiple_of3A_211 = tpu.assume_multiple %add3A_210, 16 : i32
      %get3A_212 = arith.index_cast %multiple_of3A_211 : i32 to index
      %get3A_213 = tpu.vector_load %arg7[%get3A_212] {strides = array<i32>} : memref<10240xi32, #tpu.memory_space<vmem>>, vector<16xi32>,
      %gather3A_214 = tpu.vector_load_idx %arg6[%get3A_213] : memref<100000xf32, #tpu.memory_space<vmem>>[vector<16xi32>], vector<16xf32>,
      %add3A_215 = arith.constant 2048 : i32
      %add3A_216 = arith.addi %add3A_215, %multiple_of3A_211 : i32
      %get3A_217 = arith.index_cast %add3A_216 : i32 to index
      %get3A_218 = tpu.vector_load %arg7[%get3A_217] {strides = array<i32>} : memref<10240xi32, #tpu.memory_space<vmem>>, vector<16xi32>,
      %gather3A_219 = tpu.vector_load_idx %arg6[%get3A_218] : memref<100000xf32, #tpu.memory_space<vmem>>[vector<16xi32>], vector<16xf32>,
      %add3A_220 = arith.addf %gather3A_214, %gather3A_219 : vector<16xf32>
      %add3A_221 = arith.constant 4096 : i32
      %add3A_222 = arith.addi %add3A_221, %multiple_of3A_211 : i32
      %get3A_223 = arith.index_cast %add3A_222 : i32 to index
      %get3A_224 = tpu.vector_load %arg7[%get3A_223] {strides = array<i32>} : memref<10240xi32, #tpu.memory_space<vmem>>, vector<16xi32>,
      %gather3A_225 = tpu.vector_load_idx %arg6[%get3A_224] : memref<100000xf32, #tpu.memory_space<vmem>>[vector<16xi32>], vector<16xf32>,
      %add3A_226 = arith.addf %add3A_220, %gather3A_225 : vector<16xf32>
      %add3A_227 = arith.constant 6144 : i32
      %add3A_228 = arith.addi %add3A_227, %multiple_of3A_211 : i32
      %get3A_229 = arith.index_cast %add3A_228 : i32 to index
      %get3A_230 = tpu.vector_load %arg7[%get3A_229] {strides = array<i32>} : memref<10240xi32, #tpu.memory_space<vmem>>, vector<16xi32>,
      %gather3A_231 = tpu.vector_load_idx %arg6[%get3A_230] : memref<100000xf32, #tpu.memory_space<vmem>>[vector<16xi32>], vector<16xf32>,
      %add3A_232 = arith.addf %add3A_226, %gather3A_231 : vector<16xf32>
      %add3A_233 = arith.constant 8192 : i32
      %add3A_234 = arith.addi %add3A_233, %multiple_of3A_211 : i32
      %get3A_235 = arith.index_cast %add3A_234 : i32 to index
      %get3A_236 = tpu.vector_load %arg7[%get3A_235] {strides = array<i32>} : memref<10240xi32, #tpu.memory_space<vmem>>, vector<16xi32>,
      %gather3A_237 = tpu.vector_load_idx %arg6[%get3A_236] : memref<100000xf32, #tpu.memory_space<vmem>>[vector<16xi32>], vector<16xf32>,
      %add3A_238 = arith.addf %add3A_232, %gather3A_237 : vector<16xf32>
      %swap3A_239 = arith.index_cast %multiple_of3A_211 : i32 to index
      %swap3A_240 = tpu.vector_load %arg8[%swap3A_239] {strides = array<i32>} : memref<2048xf32, #tpu.memory_space<vmem>>, vector<16xf32>,
      tpu.vector_store %arg8[%swap3A_239], %add3A_238 {strides = array<i32>} : memref<2048xf32, #tpu.memory_space<vmem>>, vector<16xf32>,
      %mul3A_241 = arith.constant 128 : i32
      %mul3A_242 = arith.muli %scan3A_108, %mul3A_241 : i32
      %add3A_243 = arith.constant 64 : i32
      %add3A_244 = arith.addi %mul3A_242, %add3A_243 : i32
      %multiple_of3A_245 = tpu.assume_multiple %add3A_244, 16 : i32
      %get3A_246 = arith.index_cast %multiple_of3A_245 : i32 to index
      %get3A_247 = tpu.vector_load %arg7[%get3A_246] {strides = array<i32>} : memref<10240xi32, #tpu.memory_space<vmem>>, vector<16xi32>,
      %gather3A_248 = tpu.vector_load_idx %arg6[%get3A_247] : memref<100000xf32, #tpu.memory_space<vmem>>[vector<16xi32>], vector<16xf32>,
      %add3A_249 = arith.constant 2048 : i32
      %add3A_250 = arith.addi %add3A_249, %multiple_of3A_245 : i32
      %get3A_251 = arith.index_cast %add3A_250 : i32 to index
      %get3A_252 = tpu.vector_load %arg7[%get3A_251] {strides = array<i32>} : memref<10240xi32, #tpu.memory_space<vmem>>, vector<16xi32>,
      %gather3A_253 = tpu.vector_load_idx %arg6[%get3A_252] : memref<100000xf32, #tpu.memory_space<vmem>>[vector<16xi32>], vector<16xf32>,
      %add3A_254 = arith.addf %gather3A_248, %gather3A_253 : vector<16xf32>
      %add3A_255 = arith.constant 4096 : i32
      %add3A_256 = arith.addi %add3A_255, %multiple_of3A_245 : i32
      %get3A_257 = arith.index_cast %add3A_256 : i32 to index
      %get3A_258 = tpu.vector_load %arg7[%get3A_257] {strides = array<i32>} : memref<10240xi32, #tpu.memory_space<vmem>>, vector<16xi32>,
      %gather3A_259 = tpu.vector_load_idx %arg6[%get3A_258] : memref<100000xf32, #tpu.memory_space<vmem>>[vector<16xi32>], vector<16xf32>,
      %add3A_260 = arith.addf %add3A_254, %gather3A_259 : vector<16xf32>
      %add3A_261 = arith.constant 6144 : i32
      %add3A_262 = arith.addi %add3A_261, %multiple_of3A_245 : i32
      %get3A_263 = arith.index_cast %add3A_262 : i32 to index
      %get3A_264 = tpu.vector_load %arg7[%get3A_263] {strides = array<i32>} : memref<10240xi32, #tpu.memory_space<vmem>>, vector<16xi32>,
      %gather3A_265 = tpu.vector_load_idx %arg6[%get3A_264] : memref<100000xf32, #tpu.memory_space<vmem>>[vector<16xi32>], vector<16xf32>,
      %add3A_266 = arith.addf %add3A_260, %gather3A_265 : vector<16xf32>
      %add3A_267 = arith.constant 8192 : i32
      %add3A_268 = arith.addi %add3A_267, %multiple_of3A_245 : i32
      %get3A_269 = arith.index_cast %add3A_268 : i32 to index
      %get3A_270 = tpu.vector_load %arg7[%get3A_269] {strides = array<i32>} : memref<10240xi32, #tpu.memory_space<vmem>>, vector<16xi32>,
      %gather3A_271 = tpu.vector_load_idx %arg6[%get3A_270] : memref<100000xf32, #tpu.memory_space<vmem>>[vector<16xi32>], vector<16xf32>,
      %add3A_272 = arith.addf %add3A_266, %gather3A_271 : vector<16xf32>
      %swap3A_273 = arith.index_cast %multiple_of3A_245 : i32 to index
      %swap3A_274 = tpu.vector_load %arg8[%swap3A_273] {strides = array<i32>} : memref<2048xf32, #tpu.memory_space<vmem>>, vector<16xf32>,
      tpu.vector_store %arg8[%swap3A_273], %add3A_272 {strides = array<i32>} : memref<2048xf32, #tpu.memory_space<vmem>>, vector<16xf32>,
      %mul3A_275 = arith.constant 128 : i32
      %mul3A_276 = arith.muli %scan3A_108, %mul3A_275 : i32
      %add3A_277 = arith.constant 80 : i32
      %add3A_278 = arith.addi %mul3A_276, %add3A_277 : i32
      %multiple_of3A_279 = tpu.assume_multiple %add3A_278, 16 : i32
      %get3A_280 = arith.index_cast %multiple_of3A_279 : i32 to index
      %get3A_281 = tpu.vector_load %arg7[%get3A_280] {strides = array<i32>} : memref<10240xi32, #tpu.memory_space<vmem>>, vector<16xi32>,
      %gather3A_282 = tpu.vector_load_idx %arg6[%get3A_281] : memref<100000xf32, #tpu.memory_space<vmem>>[vector<16xi32>], vector<16xf32>,
      %add3A_283 = arith.constant 2048 : i32
      %add3A_284 = arith.addi %add3A_283, %multiple_of3A_279 : i32
      %get3A_285 = arith.index_cast %add3A_284 : i32 to index
      %get3A_286 = tpu.vector_load %arg7[%get3A_285] {strides = array<i32>} : memref<10240xi32, #tpu.memory_space<vmem>>, vector<16xi32>,
      %gather3A_287 = tpu.vector_load_idx %arg6[%get3A_286] : memref<100000xf32, #tpu.memory_space<vmem>>[vector<16xi32>], vector<16xf32>,
      %add3A_288 = arith.addf %gather3A_282, %gather3A_287 : vector<16xf32>
      %add3A_289 = arith.constant 4096 : i32
      %add3A_290 = arith.addi %add3A_289, %multiple_of3A_279 : i32
      %get3A_291 = arith.index_cast %add3A_290 : i32 to index
      %get3A_292 = tpu.vector_load %arg7[%get3A_291] {strides = array<i32>} : memref<10240xi32, #tpu.memory_space<vmem>>, vector<16xi32>,
      %gather3A_293 = tpu.vector_load_idx %arg6[%get3A_292] : memref<100000xf32, #tpu.memory_space<vmem>>[vector<16xi32>], vector<16xf32>,
      %add3A_294 = arith.addf %add3A_288, %gather3A_293 : vector<16xf32>
      %add3A_295 = arith.constant 6144 : i32
      %add3A_296 = arith.addi %add3A_295, %multiple_of3A_279 : i32
      %get3A_297 = arith.index_cast %add3A_296 : i32 to index
      %get3A_298 = tpu.vector_load %arg7[%get3A_297] {strides = array<i32>} : memref<10240xi32, #tpu.memory_space<vmem>>, vector<16xi32>,
      %gather3A_299 = tpu.vector_load_idx %arg6[%get3A_298] : memref<100000xf32, #tpu.memory_space<vmem>>[vector<16xi32>], vector<16xf32>,
      %add3A_300 = arith.addf %add3A_294, %gather3A_299 : vector<16xf32>
      %add3A_301 = arith.constant 8192 : i32
      %add3A_302 = arith.addi %add3A_301, %multiple_of3A_279 : i32
      %get3A_303 = arith.index_cast %add3A_302 : i32 to index
      %get3A_304 = tpu.vector_load %arg7[%get3A_303] {strides = array<i32>} : memref<10240xi32, #tpu.memory_space<vmem>>, vector<16xi32>,
      %gather3A_305 = tpu.vector_load_idx %arg6[%get3A_304] : memref<100000xf32, #tpu.memory_space<vmem>>[vector<16xi32>], vector<16xf32>,
      %add3A_306 = arith.addf %add3A_300, %gather3A_305 : vector<16xf32>
      %swap3A_307 = arith.index_cast %multiple_of3A_279 : i32 to index
      %swap3A_308 = tpu.vector_load %arg8[%swap3A_307] {strides = array<i32>} : memref<2048xf32, #tpu.memory_space<vmem>>, vector<16xf32>,
      tpu.vector_store %arg8[%swap3A_307], %add3A_306 {strides = array<i32>} : memref<2048xf32, #tpu.memory_space<vmem>>, vector<16xf32>,
      %mul3A_309 = arith.constant 128 : i32
      %mul3A_310 = arith.muli %scan3A_108, %mul3A_309 : i32
      %add3A_311 = arith.constant 96 : i32
      %add3A_312 = arith.addi %mul3A_310, %add3A_311 : i32
      %multiple_of3A_313 = tpu.assume_multiple %add3A_312, 16 : i32
      %get3A_314 = arith.index_cast %multiple_of3A_313 : i32 to index
      %get3A_315 = tpu.vector_load %arg7[%get3A_314] {strides = array<i32>} : memref<10240xi32, #tpu.memory_space<vmem>>, vector<16xi32>,
      %gather3A_316 = tpu.vector_load_idx %arg6[%get3A_315] : memref<100000xf32, #tpu.memory_space<vmem>>[vector<16xi32>], vector<16xf32>,
      %add3A_317 = arith.constant 2048 : i32
      %add3A_318 = arith.addi %add3A_317, %multiple_of3A_313 : i32
      %get3A_319 = arith.index_cast %add3A_318 : i32 to index
      %get3A_320 = tpu.vector_load %arg7[%get3A_319] {strides = array<i32>} : memref<10240xi32, #tpu.memory_space<vmem>>, vector<16xi32>,
      %gather3A_321 = tpu.vector_load_idx %arg6[%get3A_320] : memref<100000xf32, #tpu.memory_space<vmem>>[vector<16xi32>], vector<16xf32>,
      %add3A_322 = arith.addf %gather3A_316, %gather3A_321 : vector<16xf32>
      %add3A_323 = arith.constant 4096 : i32
      %add3A_324 = arith.addi %add3A_323, %multiple_of3A_313 : i32
      %get3A_325 = arith.index_cast %add3A_324 : i32 to index
      %get3A_326 = tpu.vector_load %arg7[%get3A_325] {strides = array<i32>} : memref<10240xi32, #tpu.memory_space<vmem>>, vector<16xi32>,
      %gather3A_327 = tpu.vector_load_idx %arg6[%get3A_326] : memref<100000xf32, #tpu.memory_space<vmem>>[vector<16xi32>], vector<16xf32>,
      %add3A_328 = arith.addf %add3A_322, %gather3A_327 : vector<16xf32>
      %add3A_329 = arith.constant 6144 : i32
      %add3A_330 = arith.addi %add3A_329, %multiple_of3A_313 : i32
      %get3A_331 = arith.index_cast %add3A_330 : i32 to index
      %get3A_332 = tpu.vector_load %arg7[%get3A_331] {strides = array<i32>} : memref<10240xi32, #tpu.memory_space<vmem>>, vector<16xi32>,
      %gather3A_333 = tpu.vector_load_idx %arg6[%get3A_332] : memref<100000xf32, #tpu.memory_space<vmem>>[vector<16xi32>], vector<16xf32>,
      %add3A_334 = arith.addf %add3A_328, %gather3A_333 : vector<16xf32>
      %add3A_335 = arith.constant 8192 : i32
      %add3A_336 = arith.addi %add3A_335, %multiple_of3A_313 : i32
      %get3A_337 = arith.index_cast %add3A_336 : i32 to index
      %get3A_338 = tpu.vector_load %arg7[%get3A_337] {strides = array<i32>} : memref<10240xi32, #tpu.memory_space<vmem>>, vector<16xi32>,
      %gather3A_339 = tpu.vector_load_idx %arg6[%get3A_338] : memref<100000xf32, #tpu.memory_space<vmem>>[vector<16xi32>], vector<16xf32>,
      %add3A_340 = arith.addf %add3A_334, %gather3A_339 : vector<16xf32>
      %swap3A_341 = arith.index_cast %multiple_of3A_313 : i32 to index
      %swap3A_342 = tpu.vector_load %arg8[%swap3A_341] {strides = array<i32>} : memref<2048xf32, #tpu.memory_space<vmem>>, vector<16xf32>,
      tpu.vector_store %arg8[%swap3A_341], %add3A_340 {strides = array<i32>} : memref<2048xf32, #tpu.memory_space<vmem>>, vector<16xf32>,
      %mul3A_343 = arith.constant 128 : i32
      %mul3A_344 = arith.muli %scan3A_108, %mul3A_343 : i32
      %add3A_345 = arith.constant 112 : i32
      %add3A_346 = arith.addi %mul3A_344, %add3A_345 : i32
      %multiple_of3A_347 = tpu.assume_multiple %add3A_346, 16 : i32
      %get3A_348 = arith.index_cast %multiple_of3A_347 : i32 to index
      %get3A_349 = tpu.vector_load %arg7[%get3A_348] {strides = array<i32>} : memref<10240xi32, #tpu.memory_space<vmem>>, vector<16xi32>,
      %gather3A_350 = tpu.vector_load_idx %arg6[%get3A_349] : memref<100000xf32, #tpu.memory_space<vmem>>[vector<16xi32>], vector<16xf32>,
      %add3A_351 = arith.constant 2048 : i32
      %add3A_352 = arith.addi %add3A_351, %multiple_of3A_347 : i32
      %get3A_353 = arith.index_cast %add3A_352 : i32 to index
      %get3A_354 = tpu.vector_load %arg7[%get3A_353] {strides = array<i32>} : memref<10240xi32, #tpu.memory_space<vmem>>, vector<16xi32>,
      %gather3A_355 = tpu.vector_load_idx %arg6[%get3A_354] : memref<100000xf32, #tpu.memory_space<vmem>>[vector<16xi32>], vector<16xf32>,
      %add3A_356 = arith.addf %gather3A_350, %gather3A_355 : vector<16xf32>
      %add3A_357 = arith.constant 4096 : i32
      %add3A_358 = arith.addi %add3A_357, %multiple_of3A_347 : i32
      %get3A_359 = arith.index_cast %add3A_358 : i32 to index
      %get3A_360 = tpu.vector_load %arg7[%get3A_359] {strides = array<i32>} : memref<10240xi32, #tpu.memory_space<vmem>>, vector<16xi32>,
      %gather3A_361 = tpu.vector_load_idx %arg6[%get3A_360] : memref<100000xf32, #tpu.memory_space<vmem>>[vector<16xi32>], vector<16xf32>,
      %add3A_362 = arith.addf %add3A_356, %gather3A_361 : vector<16xf32>
      %add3A_363 = arith.constant 6144 : i32
      %add3A_364 = arith.addi %add3A_363, %multiple_of3A_347 : i32
      %get3A_365 = arith.index_cast %add3A_364 : i32 to index
      %get3A_366 = tpu.vector_load %arg7[%get3A_365] {strides = array<i32>} : memref<10240xi32, #tpu.memory_space<vmem>>, vector<16xi32>,
      %gather3A_367 = tpu.vector_load_idx %arg6[%get3A_366] : memref<100000xf32, #tpu.memory_space<vmem>>[vector<16xi32>], vector<16xf32>,
      %add3A_368 = arith.addf %add3A_362, %gather3A_367 : vector<16xf32>
      %add3A_369 = arith.constant 8192 : i32
      %add3A_370 = arith.addi %add3A_369, %multiple_of3A_347 : i32
      %get3A_371 = arith.index_cast %add3A_370 : i32 to index
      %get3A_372 = tpu.vector_load %arg7[%get3A_371] {strides = array<i32>} : memref<10240xi32, #tpu.memory_space<vmem>>, vector<16xi32>,
      %gather3A_373 = tpu.vector_load_idx %arg6[%get3A_372] : memref<100000xf32, #tpu.memory_space<vmem>>[vector<16xi32>], vector<16xf32>,
      %add3A_374 = arith.addf %add3A_368, %gather3A_373 : vector<16xf32>
      %swap3A_375 = arith.index_cast %multiple_of3A_347 : i32 to index
      %swap3A_376 = tpu.vector_load %arg8[%swap3A_375] {strides = array<i32>} : memref<2048xf32, #tpu.memory_space<vmem>>, vector<16xf32>,
      tpu.vector_store %arg8[%swap3A_375], %add3A_374 {strides = array<i32>} : memref<2048xf32, #tpu.memory_space<vmem>>, vector<16xf32>,
    }
    %scan3A_107 = arith.constant 16 : i32
    "tpu.region"() ({
      %run_scoped3A = tpu.sem_alloc : memref<!tpu.dma_semaphore, #tpu.memory_space<semaphore_mem>>
      %dma_start3A_108 = tpu.memref_slice %arg5[%add3A_6] : memref<32768xf32, #tpu.memory_space<hbm>> -> memref<2048xf32, #tpu.memory_space<hbm>>
      %dma_start3A_109 = tpu.memref_slice %arg5[%add3A_6] : memref<32768xf32, #tpu.memory_space<hbm>> -> memref<2048xf32, #tpu.memory_space<hbm>>
      tpu.enqueue_dma source(%arg8 : memref<2048xf32, #tpu.memory_space<vmem>>) target(%dma_start3A_109 : memref<2048xf32, #tpu.memory_space<hbm>>) target_semaphore(%run_scoped3A : memref<!tpu.dma_semaphore, #tpu.memory_space<semaphore_mem>>)
      %dma_wait3A_110 = tpu.memref_slice %arg5[%add3A_6] : memref<32768xf32, #tpu.memory_space<hbm>> -> memref<2048xf32, #tpu.memory_space<hbm>>
      %dma_wait3A_111 = tpu.memref_slice %arg5[%add3A_6] : memref<32768xf32, #tpu.memory_space<hbm>> -> memref<2048xf32, #tpu.memory_space<hbm>>
      tpu.wait_dma2 semaphore(%run_scoped3A : memref<!tpu.dma_semaphore, #tpu.memory_space<semaphore_mem>>) src(%arg8 : memref<2048xf32, #tpu.memory_space<vmem>>) dst(%dma_wait3A_111 : memref<2048xf32, #tpu.memory_space<hbm>>)
      tpu.yield
    }) : () -> ()
    return
  }
}

module attributes {stable_mosaic.version = 14 : i64} {
  func.func @body(%arg0: memref<32768xf32, #tpu.memory_space<vmem>>, %arg1: memref<16384xf32, #tpu.memory_space<vmem>>, %arg2: memref<16384xf32, #tpu.memory_space<vmem>>) attributes {dimension_semantics = [], scalar_prefetch = 0 : i64, scratch_operands = 0 : i64, tpu.core_type = #tpu.core_type<tc>} {
    %get3A = arith.constant 0 : index
    %get3A_0 = vector.load %arg0[%get3A] : memref<32768xf32, #tpu.memory_space<vmem>>, vector<16384xf32>
    %get3A_1 = arith.constant 16384 : index
    %get3A_2 = vector.load %arg0[%get3A_1] : memref<32768xf32, #tpu.memory_space<vmem>>, vector<16384xf32>
    %add3A = arith.addf %get3A_0, %get3A_2 : vector<16384xf32>
    %get3A_3 = arith.constant 0 : index
    %get3A_4 = vector.load %arg1[%get3A_3] : memref<16384xf32, #tpu.memory_space<vmem>>, vector<16384xf32>
    %add3A_5 = arith.addf %add3A, %get3A_4 : vector<16384xf32>
    %swap3A = arith.constant 0 : index
    %swap3A_6 = vector.load %arg2[%swap3A] : memref<16384xf32, #tpu.memory_space<vmem>>, vector<16384xf32>
    tpu.vector_store %arg2[%swap3A], %add3A_5 {strides = array<i32>} : memref<16384xf32, #tpu.memory_space<vmem>>, vector<16384xf32>,
    return
  }
}

module attributes {stable_mosaic.version = 14 : i64} {
  func.func @body(%arg0: i32, %arg1: memref<32x8192xf32, #tpu.memory_space<vmem>>, %arg2: memref<32x1xf32, #tpu.memory_space<vmem>>, %arg3: memref<1x1xf32, #tpu.memory_space<vmem>>, %arg4: memref<8192xf32, #tpu.memory_space<vmem>>) attributes {dimension_semantics = [#tpu.dimension_semantics<arbitrary>], iteration_bounds = array<i64: 2>, scalar_prefetch = 0 : i64, scratch_operands = 0 : i64, tpu.core_type = #tpu.core_type<tc>, window_params = [{transform_indices = @transform_0, window_bounds = array<i64: 32, 8192>}, {pipeline_mode = #tpu.pipeline_mode<synchronous>, transform_indices = @transform_1, window_bounds = array<i64: 32, 1>}, {pipeline_mode = #tpu.pipeline_mode<synchronous>, transform_indices = @transform_2, window_bounds = array<i64: 1, 1>}, {transform_indices = @transform_3, window_bounds = array<i64: 8192>}]} {
    %get3A = arith.constant 0 : index
    %get3A_0 = arith.constant 0 : index
    %get3A_1 = vector.load %arg1[%get3A, %get3A_0] : memref<32x8192xf32, #tpu.memory_space<vmem>>, vector<32x8192xf32>
    %get3A_2 = arith.constant 0 : index
    %get3A_3 = arith.constant 0 : index
    %get3A_4 = vector.load %arg2[%get3A_2, %get3A_3] : memref<32x1xf32, #tpu.memory_space<vmem>>, vector<32x1xf32>
    %mul3A = vector.broadcast %get3A_4 : vector<32x1xf32> to vector<32x8192xf32>
    %mul3A_5 = arith.mulf %get3A_1, %mul3A : vector<32x8192xf32>
    %reduce_sum3A = arith.constant dense<0.000000e+00> : vector<8192xf32>
    %reduce_sum3A_6 = vector.multi_reduction <add>, %mul3A_5, %reduce_sum3A [0] : vector<32x8192xf32> to vector<8192xf32>
    %get3A_7 = arith.constant 0 : index
    %get3A_8 = arith.constant 0 : index
    %get3A_9 = vector.load %arg3[%get3A_7, %get3A_8] : memref<1x1xf32, #tpu.memory_space<vmem>>, vector<1x1xf32>
    %get3A_10 = vector.extract %get3A_9[0, 0] : f32 from vector<1x1xf32>
    %add3A = vector.broadcast %get3A_10 : f32 to vector<8192xf32>
    %add3A_11 = arith.addf %reduce_sum3A_6, %add3A : vector<8192xf32>
    %swap3A = arith.constant 0 : index
    %swap3A_12 = vector.load %arg4[%swap3A] : memref<8192xf32, #tpu.memory_space<vmem>>, vector<8192xf32>
    tpu.vector_store %arg4[%swap3A], %add3A_11 {strides = array<i32>} : memref<8192xf32, #tpu.memory_space<vmem>>, vector<8192xf32>,
    return
  }
  func.func @transform_0(%arg0: i32) -> (i32, i32) {
    %c0_i32 = arith.constant 0 : i32
    %c0_i32_0 = arith.constant 0 : i32
    return %c0_i32, %arg0 : i32, i32
  }
  func.func @transform_1(%arg0: i32) -> (i32, i32) {
    %c0_i32 = arith.constant 0 : i32
    %c0_i32_0 = arith.constant 0 : i32
    %c0_i32_1 = arith.constant 0 : i32
    return %c0_i32, %c0_i32_0 : i32, i32
  }
  func.func @transform_2(%arg0: i32) -> (i32, i32) {
    %c0_i32 = arith.constant 0 : i32
    %c0_i32_0 = arith.constant 0 : i32
    %c0_i32_1 = arith.constant 0 : i32
    return %c0_i32, %c0_i32_0 : i32, i32
  }
  func.func @transform_3(%arg0: i32) -> i32 {
    %c0_i32 = arith.constant 0 : i32
    return %arg0 : i32
  }
}

</mosaic_0001>

<sc_bundles>
// kernel: kernel.5.cloned.1.call-start
scs
__scs_entry_jumppad:
0x0: {  	(pc) =	sbr.rel $0x88, $3  }
0x1: {  	(tag) =	ssettag $0x0;
	lr =	simm.s32 $0x1  }
0x2: {  	[smem:$0x3F9A] =	sst lr;
	_ =	strace $0xD0000000  }
0x3: {  	_ = 	snop  }
0x4: {  	_ = 	snop  }
0x5: {  	_ = 	snop  }
0x6: {  	_ = 	snop  }
0x7: {  	_ = 	snop  }
__scs_overlays_trampoline_lowered:
0x8: {  	[smem:$0x3FA9] =	sst s0  }
0x9: {  	[smem:$0x3FAA] =	sst s1  }
0xa: {  	[smem:$0x3FAB] =	sst s2  }
0xb: {  	[smem:$0x3FAC] =	sst s3  }
0xc: {  	[smem:$0x3FAD] =	sst s4  }
0xd: {  	[smem:$0x3FAE] =	sst s5  }
0xe: {  	[smem:$0x3FAF] =	sst s6  }
0xf: {  	[smem:$0x3FB0] =	sst s7  }
0x10: {  	[smem:$0x3FB1] =	sst s8  }
0x11: {  	[smem:$0x3FB2] =	sst s9;
	s0 =	simm.s32 @!p0 $0x0  }
0x12: {  	s1 =	sld [smem:$0x3F98];
	s0 =	simm.s32 @p0 $0x1  }
0x13: {  	[smem:$0x3FB3] =	sst s0;
	s0 =	simm.s32 @!p1 $0x0  }
0x14: {  	s2 =	sld [smem:$0x3F97];
	s0 =	simm.s32 @p1 $0x1  }
0x15: {  	[smem:$0x3FB4] =	sst s0;
	s0 =	simm.s32 @!p2 $0x0  }
0x16: {  	s3 =	sld [smem:$0x3FDB];
	s0 =	simm.s32 @p2 $0x1  }
0x17: {  	s4 =	simm.s32 $0x1BF5;
	[smem:$0x3FB6] =	sst s0  }
0x18: {  	s0 =	sld [smem:$0x3F99];
	_ =	swait.ge [sflag:s4], $0x0  }
0x19: {  	s7 =	sld [smem:$0x3F9A]  }
0x1a: {  	s8 =	sadd.s32 $0xFFFFE003, lr  }
0x1b: {  	s9 =	sadd.s32 $0xFFFFFEF7, lr;
	s5 =	simm.s32 $0xFFFFFFFF;
	p2 =	slt.u32 s8, $0xFFFFF086  }
0x1c: {  	p1 =	slt.u32 s9, $0xF7A;
	s5 =	simm.s32 @!p2 $0x0  }
0x1d: {  	s5 =	simm.s32 @p1 $0x1;
	p0 =	seq.s32 s7, s2  }
0x1e: {  	s7 =	smul.u32 @!p0 $0xF7A, s2;
	p2 =	seq.s32 @!p0 s5, $0x0  }
0x1f: {  	s9 =	smul.u32 $0xF7A, s1;
	s8 =	simm.s32 @!p0 $0x1BF5;
	p2 =	por !p2, p0  }
0x20: {  	[sflag:s8] =	ssyncset.s32 @!p0 $0xFFFFF086;
	s6 =	sadd.s32 @!p0 s3, s7;
	s7 =	simm.s32 @!p0 $0x108  }
0x21: {  	s3 =	sadd.s32 s3, s9;
	s6 =	sadd.s32 @!p0 $0x88, s6;
	s7 =	simm.s32 @p2 $0x1082  }
0x22: {  	[simem:s7], [sflag:s8] =	dma.local @!p0 [hbm:s6], $0xF7A  }
0x23: {  	s9 =	sor.u32 $0xD0000000, s2;
	s6 =	simm.s32 $0x108;
	_ =	swait.ge @!p0 [sflag:s8], $0x0  }
0x24: {  	s3 =	sadd.s32 $0x88, s3;
	s6 =	simm.s32 @!p1 $0x1082;
	[sflag:s4] =	ssyncset.s32 $0xFFFFF086  }
0x25: {  	[simem:s6], [sflag:s4] =	dma.local [hbm:s3], $0xF7A  }
0x26: {  	[smem:$0x3F9A] =	sst s1;
	(tag) =	ssettag s2;
	_ =	strace s9  }
0x27: {  	s1 =	sld [smem:$0x3FAA]  }
0x28: {  	s2 =	sld [smem:$0x3FAB]  }
0x29: {  	s4 =	sld [smem:$0x3FAD]  }
0x2a: {  	p0 =	seq.s32 s5, $0x0;
	s5 =	sld [smem:$0x3FAE]  }
0x2b: {  	s6 =	sld [smem:$0x3FAF]  }
0x2c: {  	s7 =	sld [smem:$0x3FB0]  }
0x2d: {  	s3 =	simm.s32 $0x108;
	s8 =	sld [smem:$0x3FB1]  }
0x2e: {  	s3 =	simm.s32 @!p0 $0x1082;
	s9 =	sld [smem:$0x3FB2]  }
0x2f: {  	lr =	sadd.s32 s0, s3;
	s0 =	sld [smem:$0x3FA9]  }
0x30: {  	s3 =	sld [smem:$0x3FAC]  }
0x31: {  	[smem:$0x3FB5] =	sst s10  }
0x32: {  	s10 =	sld [smem:$0x3FB3];
	_ =	sdelay $0x3  }
0x33: {  	p0 =	seq.s32 s10, $0x1;
	s10 =	sld [smem:$0x3FB5];
	_ =	sdelay $0x3  }
0x34: {  	[smem:$0x3FB5] =	sst s10  }
0x35: {  	s10 =	sld [smem:$0x3FB4];
	_ =	sdelay $0x3  }
0x36: {  	p1 =	seq.s32 s10, $0x1;
	s10 =	sld [smem:$0x3FB5];
	_ =	sdelay $0x3  }
0x37: {  	[smem:$0x3FB5] =	sst s10  }
0x38: {  	s10 =	sld [smem:$0x3FB6]  }
0x39: {  	_ = 	snop;
	(pc) =	sbr.ind lr, $3  }
0x3a: {  	_ = 	snop  }
0x3b: {  	_ = 	snop  }
0x3c: {  	p2 =	seq.s32 s10, $0x1;
	s10 =	sld [smem:$0x3FB5]  }
0x3d: {  	_ =	shalt  }
0x3e: {  	_ =	shalt  }
0x3f: {  	_ =	shalt  }
0x40: {  	_ =	shalt  }
0x41: {  	_ =	shalt  }
0x42: {  	_ =	shalt  }
0x43: {  	_ =	shalt  }
0x44: {  	_ =	shalt  }
0x45: {  	_ =	shalt  }
0x46: {  	_ =	shalt  }
0x47: {  	_ =	shalt  }
0x48: {  	_ =	shalt  }
0x49: {  	_ =	shalt  }
0x4a: {  	_ =	shalt  }
0x4b: {  	_ =	shalt  }
0x4c: {  	_ =	shalt  }
0x4d: {  	_ =	shalt  }
0x4e: {  	_ =	shalt  }
0x4f: {  	_ =	shalt  }
0x50: {  	_ =	shalt  }
0x51: {  	_ =	shalt  }
0x52: {  	_ =	shalt  }
0x53: {  	_ =	shalt  }
0x54: {  	_ =	shalt  }
0x55: {  	_ =	shalt  }
0x56: {  	_ =	shalt  }
0x57: {  	_ =	shalt  }
0x58: {  	_ =	shalt  }
0x59: {  	_ =	shalt  }
0x5a: {  	_ =	shalt  }
0x5b: {  	_ =	shalt  }
0x5c: {  	_ =	shalt  }
0x5d: {  	_ =	shalt  }
0x5e: {  	_ =	shalt  }
0x5f: {  	_ =	shalt  }
0x60: {  	_ =	shalt  }
0x61: {  	_ =	shalt  }
0x62: {  	_ =	shalt  }
0x63: {  	_ =	shalt  }
0x64: {  	_ =	shalt  }
0x65: {  	_ =	shalt  }
0x66: {  	_ =	shalt  }
0x67: {  	_ =	shalt  }
0x68: {  	_ =	shalt  }
0x69: {  	_ =	shalt  }
0x6a: {  	_ =	shalt  }
0x6b: {  	_ =	shalt  }
0x6c: {  	_ =	shalt  }
0x6d: {  	_ =	shalt  }
0x6e: {  	_ =	shalt  }
0x6f: {  	_ =	shalt  }
0x70: {  	_ =	shalt  }
0x71: {  	_ =	shalt  }
0x72: {  	_ =	shalt  }
0x73: {  	_ =	shalt  }
0x74: {  	_ =	shalt  }
0x75: {  	_ =	shalt  }
0x76: {  	_ =	shalt  }
0x77: {  	_ =	shalt  }
0x78: {  	_ =	shalt  }
0x79: {  	_ =	shalt  }
0x7a: {  	_ =	shalt  }
0x7b: {  	_ =	shalt  }
0x7c: {  	_ =	shalt  }
0x7d: {  	_ =	shalt  }
0x7e: {  	_ =	shalt  }
0x7f: {  	_ =	shalt  }
0x80: {  	_ =	shalt  }
0x81: {  	_ =	shalt  }
0x82: {  	_ =	shalt  }
0x83: {  	_ =	shalt  }
0x84: {  	_ =	shalt  }
0x85: {  	_ =	shalt  }
0x86: {  	_ =	shalt  }
0x87: {  	_ =	shalt  }
.Lfunc_end0:
.L_simem_size_0:
called_computation_lowered:
.L_overlay_start_0:
0x88: {  	s0 =	sld [smem:$0x3FD9]  }
0x89: {  	s1 =	sld [smem:$0x3FFE];
	_ =	sdelay $0x3  }
0x8a: {  	s0 =	sadd.s32 s1, s0  }
0x8b: {  	[smem:$0x3FC1] =	sst s0  }
0x8c: {  	_ = 	snop  }
0x8d: {  	(tm) =	ssettm $0x1  }
0x8e: {  	s15 =	sld [smem:$0x3FFB];
	_ =	sdelay $0x3  }
0x8f: {  	_ =	strace s15  }
0x90: {  	s0 =	sld [smem:$0x3FFC];
	_ =	sdelay $0x3  }
0x91: {  	_ =	strace s0  }
0x92: {  	s0 =	sld [smem:$0x3FFD];
	_ =	sdelay $0x3  }
0x93: {  	_ =	strace s0  }
0x94: {  	_ =	strace $0x8FFFFFFF  }
0x95: {  	s16 =	sld [smem:$0x3FDB];
	_ =	sdelay $0x1  }
0x96: {  	s17 =	simm.s32 $_scs_section_size  }
0x97: {  	s2 =	simm.s32 $_size__tile_overlayer_lowered;
	s3 =	simm.s32 $_tile_overlayer_lowered  }
0x98: {  	s20 =	simm.s32 $0x1BFF;
	s19 =	sshll.u32 s3, $0x1;
	s0 =	sadd.s32 s17, s16  }
0x99: {  	s4 =	simm.s32 $0x0;
	s18 =	sshll.u32 s2, $0x1;
	s2 =	sadd.s32 s19, s0  }
0x9a: {  	[timem:s4], [sflag:s20] =	dma.local [hbm:s2], s18  }
0x9b: {  	_ =	swait.ge [sflag:s20], s18  }
0x9c: {  	s1 =	ssub.s32 $0x0, s18;
	[sflag:s20] =	ssyncset.done $0x0  }
0x9d: {  	[sflag:s20] =	ssyncadd.s32 s1;
	_ =	sdelay $0x1  }
0x9e: {  	s21 =	simm.s32 $0x1B8B  }
0x9f: {  	_ =	swait.ge [sflag:s21], $0x1  }
0xa0: {  	[sflag:s21] =	ssyncset.done $0x0  }
0xa1: {  	s23 =	simm.s32 $0x1B8E;
	s22 =	sld [smem:$0x3FFE];
	[sflag:s21] =	ssyncadd.s32 $0xFFFFFFFF  }
0xa2: {  	s24 =	simm.s32 $execute0_lowered;
	[smem:$0x3FD2] =	sst s23  }
0xa3: {  	s2 =	sshll.u32 s24, $0x1;
	_ =	strace $0x80000046;
	[dreg:$0x1] =	wrdreg $0xFFFFFFFF  }
0xa4: {  	s25 =	simm.s32 $_size_execute0_lowered;
	s0 =	sadd.s32 s0, s2;
	[dreg:$0x0] =	wrdreg $0x0  }
0xa5: {  	s2 =	sshll.u32 s25, $0x1;
	[dreg:$0x2] =	wrdreg s0  }
0xa6: {  	[dreg:$0x3] =	wrdreg s2  }
0xa7: {  	[dreg:$0x4] =	wrdreg $0xC0  }
0xa8: {  	_ =	task [dreg:s4], $0x5FFFF  }
0xa9: {  	[dreg:$0x1] =	wrdreg $0xFFFFFFFF  }
0xaa: {  	[dreg:$0x0] =	wrdreg $0x60  }
0xab: {  	[dreg:$0x2] =	wrdreg s22  }
0xac: {  	[dreg:$0x3] =	wrdreg $0x9  }
0xad: {  	_ =	task.clear_ibuf [dreg:s4], $0x4FFFF;
	_ =	strace $0x90000046  }
0xae: {  	s26 =	simm.s32 $0x9;
	_ =	strace $0x80000048  }
0xaf: {  	_ =	swait.ge [sflag:s26], $0x1  }
0xb0: {  	[sflag:s26] =	ssyncadd.s32 $0xFFFFFFFF  }
0xb1: {  	_ =	strace $0x90000048  }
0xb2: {  	_ =	sfence  }
0xb3: {  	s28 =	sld [smem:$0x0];
	_ =	sdelay $0x1  }
0xb4: {  	s29 =	srdreg.scid  }
0xb5: {  	s30 =	sshll.u32 s29, $0xD;
	s31 =	sshrl.u32 s29, $0x2  }
0xb6: {  	s1 =	sand.u32 $0x1, s29;
	s2 =	sand.u32 $0x4000, s30;
	s0 =	sadd.s32 s31, s28  }
0xb7: {  	s1 =	sor.u32 s2, s1;
	s0 =	sshll.u32 s0, $0x11  }
0xb8: {  	s0 =	sor.u32 s0, s1  }
0xb9: {  	s0 =	sadd.s32 $0x8F2B, s0  }
0xba: {  	[sflag:s0] =	ssyncadd.remote.s32 $0x1  }
0xbb: {  	_ =	sfence.sel $0xFFFF  }
0xbc: {  	[dreg:$0x0] =	wrdreg $0xFFFFFFFF;
	(pc) =	sbr.abs _section_cstart, $3  }
0xbd: {  	[dreg:$0x1] =	wrdreg $0xFFFFFFFF  }
0xbe: {  	_ =	task.clear_ibuf [dreg:s4], $0x2FFFF;
	_ =	strace $0x9FFFFFFF  }
0xbf: {  	(tm) =	ssettm $0x7FFFFFFF  }
tec
execute0_lowered:
.L_overlay_start_1:
0x0: {  	(tag) =	ssettag $0x1  }
0x1: {  	s4 =	rddreg [dreg:$0x0]  }
0x2: {  	s0 =	rddreg [dreg:$0x1];
	s2 =	simm.s32 $0x0;
	s1 =	simm.s32 $0x1AF00  }
0x3: {  	s7 =	simm.s32 $0x3;
	s8 =	simm.s32 $0x0;
	[smem:$0x7FF] =	sst s2  }
0x4: {  	s9 =	simm.s32 $0x1AF08;
	s3 =	sadd.s32 $0x5400, s4;
	_ =	strace $0x80000047  }
0x5: {  	[tilespmem:s1], [sflag:$0x3] =	stream.linear.gather [hbm4b:s3+s2], $0x8, $0x38;
	[tilespmem:$0x1B700] =	vst v63  }
0x6: {  	s6 =	sadd.s32 $0x8600, s4;
	s1 =	stileid.u32;
	_ =	swait.ge [sflag:s7], $0x8  }
0x7: {  	p0 =	slt.u32 s1, $0x8;
	s5 =	sshll.u32 s1, $0xB;
	[sflag:s7] =	ssyncset.done $0x0  }
0x8: {  	s5 =	sand.u32 $0x3800, s5;
	s8 =	simm.s32 @!p0 $0x14000;
	[sflag:s7] =	ssyncadd.s32 $0xFFFFFFF8  }
0x9: {  	[tilespmem:s9], [sflag:$0x3] =	stream.linear.gather [hbm4b:s6+s2], $0x8, $0x38;
	[tilespmem:$0x1B700] =	vst v63  }
0xa: {  	s18 =	simm.s32 $0x18700;
	s8 =	sor.u32 s5, s8;
	_ =	swait.ge [sflag:s7], $0x8  }
0xb: {  	s15 =	sadd.s32 $0x400, s4;
	s10 =	sshrl.u32 s8, $0x3;
	[sflag:s7] =	ssyncset.done $0x0  }
0xc: {  	s11 =	sadd.s32 $0x4000, s8;
	s6 =	smov.u32 @p0 s3;
	[sflag:s7] =	ssyncadd.s32 $0xFFFFFFF8  }
0xd: {  	[tilespmem:s2], [sflag:$0x1] =	stream.linear.gather [hbm4b:s6+s2], $0x18700, $0x38;
	[tilespmem:$0x1B700] =	vst v63  }
0xe: {  	s20 =	simm.s32 $0x18F00;
	s11 =	sshrl.u32 s11, $0x3;
	s16 =	sadd.s32 s15, s10  }
0xf: {  	[tilespmem:s18], [sflag:$0x2] =	stream.linear.gather [hbm4b:s16+s2], $0x800, $0x38;
	[tilespmem:$0x1B700] =	vst v63  }
0x10: {  	s23 =	simm.s32 $0x19700;
	s19 =	sadd.s32 $0xC000, s8;
	s17 =	sadd.s32 s15, s11  }
0x11: {  	[tilespmem:s20], [sflag:$0x2] =	stream.linear.gather [hbm4b:s17+s2], $0x800, $0x38;
	[tilespmem:$0x1B700] =	vst v63  }
0x12: {  	s22 =	sadd.s32 $0x10000, s8;
	s21 =	sshrl.u32 s19, $0x3;
	s3 =	sadd.s32 $0x1000, s16  }
0x13: {  	[tilespmem:s23], [sflag:$0x2] =	stream.linear.gather [hbm4b:s3+s2], $0x800, $0x38;
	[tilespmem:$0x1B700] =	vst v63  }
0x14: {  	s26 =	simm.s32 $0x19F00;
	s25 =	sshrl.u32 s22, $0x3;
	s24 =	sadd.s32 s15, s21  }
0x15: {  	[tilespmem:s26], [sflag:$0x2] =	stream.linear.gather [hbm4b:s24+s2], $0x800, $0x38;
	[tilespmem:$0x1B700] =	vst v63  }
0x16: {  	s29 =	simm.s32 $0x1A700;
	s30 =	simm.s32 $0x2;
	s28 =	sadd.s32 s15, s25  }
0x17: {  	[tilespmem:s29], [sflag:$0x2] =	stream.linear.gather [hbm4b:s28+s2], $0x800, $0x38;
	[tilespmem:$0x1B700] =	vst v63  }
0x18: {  	_ =	swait.ge [sflag:s30], $0x800  }
0x19: {  	[sflag:s30] =	ssyncset.done $0x0  }
0x1a: {  	[sflag:s30] =	ssyncadd.s32 $0xFFFFF800  }
0x1b: {  	_ =	swait.ge [sflag:s30], $0x800  }
0x1c: {  	[sflag:s30] =	ssyncset.done $0x0  }
0x1d: {  	[sflag:s30] =	ssyncadd.s32 $0xFFFFF800  }
0x1e: {  	_ =	swait.ge [sflag:s30], $0x800  }
0x1f: {  	[sflag:s30] =	ssyncset.done $0x0  }
0x20: {  	[sflag:s30] =	ssyncadd.s32 $0xFFFFF800  }
0x21: {  	_ =	swait.ge [sflag:s30], $0x800  }
0x22: {  	[sflag:s30] =	ssyncset.done $0x0  }
0x23: {  	[sflag:s30] =	ssyncadd.s32 $0xFFFFF800  }
0x24: {  	_ =	swait.ge [sflag:s30], $0x800  }
0x25: {  	[sflag:s30] =	ssyncset.done $0x0  }
0x26: {  	s31 =	simm.s32 $0x1;
	[sflag:s30] =	ssyncadd.s32 $0xFFFFF800  }
0x27: {  	_ =	swait.ge [sflag:s31], $0x18700  }
0x28: {  	[sflag:s31] =	ssyncset.done $0x0  }
0x29: {  	s3 =	simm.s32 $0x0;
	[sflag:s31] =	ssyncadd.s32 $0xFFFE7900  }
0x2a: {  	v0 =	vld [tilespmem:s3+$0x18F00]  }
0x2b: {  	v1 =	vld [tilespmem:s3+$0x18700];
	_ =	sdelay $0x1  }
0x2c: {  	v2 =	vld [tilespmem:s3+$0x19700];
	_ =	sdelay $0x1  }
0x2d: {  	v3 =	vld [tilespmem:s3+$0x19F00]  }
0x2e: {  	v4 =	vld [tilespmem:s3+$0x1A700];
	_ =	sdelay $0x1  }
0x2f: {  	v0 =	vld.idx.msk [tilespmem:v0+s2+$0x0], $0xffff  }
0x30: {  	v1 =	vld.idx.msk [tilespmem:v1+s2+$0x0], $0xffff;
	_ =	sdelay $0x1  }
0x31: {  	v2 =	vld.idx.msk [tilespmem:v2+s2+$0x0], $0xffff;
	_ =	sdelay $0x1  }
0x32: {  	v3 =	vld.idx.msk [tilespmem:v3+s2+$0x0], $0xffff  }
0x33: {  	v0 =	vadd.f32 v0, v1;
	v1 =	vld.idx.msk [tilespmem:v4+s2+$0x0], $0xffff  }
0x34: {  	v4 =	vld [tilespmem:s3+$0x18710]  }
0x35: {  	v0 =	vadd.f32 v2, v0;
	v2 =	vld [tilespmem:s3+$0x18F10];
	_ =	sdelay $0x1  }
0x36: {  	v0 =	vadd.f32 v3, v0;
	v3 =	vld [tilespmem:s3+$0x19710];
	_ =	sdelay $0x1  }
0x37: {  	v0 =	vadd.f32 v1, v0;
	v1 =	vld [tilespmem:s3+$0x19F10];
	_ =	sdelay $0x1  }
0x38: {  	[tilespmem:s3+$0x1AF00] =	vst v0;
	v0 =	vld [tilespmem:s3+$0x1A710]  }
0x39: {  	v4 =	vld.idx.msk [tilespmem:v4+s2+$0x0], $0xffff  }
0x3a: {  	v2 =	vld.idx.msk [tilespmem:v2+s2+$0x0], $0xffff;
	_ =	sdelay $0x1  }
0x3b: {  	v3 =	vld.idx.msk [tilespmem:v3+s2+$0x0], $0xffff;
	_ =	sdelay $0x1  }
0x3c: {  	v1 =	vld.idx.msk [tilespmem:v1+s2+$0x0], $0xffff  }
0x3d: {  	v2 =	vadd.f32 v2, v4;
	v4 =	vld [tilespmem:s3+$0x18720]  }
0x3e: {  	v0 =	vld.idx.msk [tilespmem:v0+s2+$0x0], $0xffff  }
0x3f: {  	v2 =	vadd.f32 v3, v2;
	v3 =	vld [tilespmem:s3+$0x18F20];
	_ =	sdelay $0x1  }
0x40: {  	v1 =	vadd.f32 v1, v2;
	v2 =	vld [tilespmem:s3+$0x19720];
	_ =	sdelay $0x1  }
0x41: {  	v0 =	vadd.f32 v0, v1;
	v1 =	vld [tilespmem:s3+$0x19F20];
	_ =	sdelay $0x1  }
0x42: {  	[tilespmem:s3+$0x1AF10] =	vst v0;
	v0 =	vld [tilespmem:s3+$0x1A720]  }
0x43: {  	v4 =	vld.idx.msk [tilespmem:v4+s2+$0x0], $0xffff  }
0x44: {  	v3 =	vld.idx.msk [tilespmem:v3+s2+$0x0], $0xffff;
	_ =	sdelay $0x1  }
0x45: {  	v2 =	vld.idx.msk [tilespmem:v2+s2+$0x0], $0xffff;
	_ =	sdelay $0x1  }
0x46: {  	v1 =	vld.idx.msk [tilespmem:v1+s2+$0x0], $0xffff  }
0x47: {  	v3 =	vadd.f32 v3, v4;
	v4 =	vld [tilespmem:s3+$0x18730]  }
0x48: {  	v0 =	vld.idx.msk [tilespmem:v0+s2+$0x0], $0xffff  }
0x49: {  	v2 =	vadd.f32 v2, v3;
	v3 =	vld [tilespmem:s3+$0x18F30];
	_ =	sdelay $0x1  }
0x4a: {  	v1 =	vadd.f32 v1, v2;
	v2 =	vld [tilespmem:s3+$0x19730];
	_ =	sdelay $0x1  }
0x4b: {  	v0 =	vadd.f32 v0, v1;
	v1 =	vld [tilespmem:s3+$0x19F30];
	_ =	sdelay $0x1  }
0x4c: {  	[tilespmem:s3+$0x1AF20] =	vst v0;
	v0 =	vld [tilespmem:s3+$0x1A730]  }
0x4d: {  	v4 =	vld.idx.msk [tilespmem:v4+s2+$0x0], $0xffff  }
0x4e: {  	v3 =	vld.idx.msk [tilespmem:v3+s2+$0x0], $0xffff;
	_ =	sdelay $0x1  }
0x4f: {  	v2 =	vld.idx.msk [tilespmem:v2+s2+$0x0], $0xffff;
	_ =	sdelay $0x1  }
0x50: {  	v1 =	vld.idx.msk [tilespmem:v1+s2+$0x0], $0xffff  }
0x51: {  	v3 =	vadd.f32 v3, v4;
	v4 =	vld [tilespmem:s3+$0x18F40]  }
0x52: {  	v0 =	vld.idx.msk [tilespmem:v0+s2+$0x0], $0xffff  }
0x53: {  	v2 =	vadd.f32 v2, v3;
	v3 =	vld [tilespmem:s3+$0x18740];
	_ =	sdelay $0x1  }
0x54: {  	v1 =	vadd.f32 v1, v2;
	v2 =	vld [tilespmem:s3+$0x19740];
	_ =	sdelay $0x1  }
0x55: {  	v0 =	vadd.f32 v0, v1;
	v1 =	vld [tilespmem:s3+$0x19F40];
	_ =	sdelay $0x1  }
0x56: {  	[tilespmem:s3+$0x1AF30] =	vst v0;
	v0 =	vld [tilespmem:s3+$0x1A740]  }
0x57: {  	v4 =	vld.idx.msk [tilespmem:v4+s2+$0x0], $0xffff  }
0x58: {  	v3 =	vld.idx.msk [tilespmem:v3+s2+$0x0], $0xffff;
	_ =	sdelay $0x1  }
0x59: {  	v2 =	vld.idx.msk [tilespmem:v2+s2+$0x0], $0xffff;
	_ =	sdelay $0x1  }
0x5a: {  	v1 =	vld.idx.msk [tilespmem:v1+s2+$0x0], $0xffff  }
0x5b: {  	v3 =	vadd.f32 v4, v3;
	v4 =	vld [tilespmem:s3+$0x18750]  }
0x5c: {  	v0 =	vld.idx.msk [tilespmem:v0+s2+$0x0], $0xffff  }
0x5d: {  	v2 =	vadd.f32 v2, v3;
	v3 =	vld [tilespmem:s3+$0x18F50];
	_ =	sdelay $0x1  }
0x5e: {  	v5 =	vld [tilespmem:s3+$0x19750];
	v1 =	vadd.f32 v1, v2;
	_ =	sdelay $0x1  }
0x5f: {  	v2 =	vld [tilespmem:s3+$0x19F50];
	v0 =	vadd.f32 v0, v1  }
0x60: {  	v1 =	vld [tilespmem:s3+$0x1A750]  }
0x61: {  	[tilespmem:s3+$0x1AF40] =	vst v0  }
0x62: {  	v0 =	vld.idx.msk [tilespmem:v4+s2+$0x0], $0xffff  }
0x63: {  	v3 =	vld.idx.msk [tilespmem:v3+s2+$0x0], $0xffff;
	_ =	sdelay $0x1  }
0x64: {  	v4 =	vld.idx.msk [tilespmem:v5+s2+$0x0], $0xffff;
	_ =	sdelay $0x1  }
0x65: {  	v2 =	vld.idx.msk [tilespmem:v2+s2+$0x0], $0xffff  }
0x66: {  	v1 =	vld.idx.msk [tilespmem:v1+s2+$0x0], $0xffff;
	v0 =	vadd.f32 v3, v0  }
0x67: {  	v3 =	vld [tilespmem:s3+$0x18760]  }
0x68: {  	v0 =	vadd.f32 v4, v0;
	v4 =	vld [tilespmem:s3+$0x18F60];
	_ =	sdelay $0x1  }
0x69: {  	v5 =	vld [tilespmem:s3+$0x19760];
	v0 =	vadd.f32 v2, v0;
	_ =	sdelay $0x1  }
0x6a: {  	v2 =	vld [tilespmem:s3+$0x19F60];
	v0 =	vadd.f32 v1, v0  }
0x6b: {  	v1 =	vld [tilespmem:s3+$0x1A760]  }
0x6c: {  	[tilespmem:s3+$0x1AF50] =	vst v0  }
0x6d: {  	v0 =	vld.idx.msk [tilespmem:v3+s2+$0x0], $0xffff  }
0x6e: {  	v3 =	vld.idx.msk [tilespmem:v4+s2+$0x0], $0xffff;
	_ =	sdelay $0x1  }
0x6f: {  	v4 =	vld.idx.msk [tilespmem:v5+s2+$0x0], $0xffff;
	_ =	sdelay $0x1  }
0x70: {  	v2 =	vld.idx.msk [tilespmem:v2+s2+$0x0], $0xffff  }
0x71: {  	v1 =	vld.idx.msk [tilespmem:v1+s2+$0x0], $0xffff;
	v0 =	vadd.f32 v3, v0  }
0x72: {  	v3 =	vld [tilespmem:s3+$0x18770]  }
0x73: {  	v5 =	vld [tilespmem:s3+$0x19770];
	v0 =	vadd.f32 v4, v0  }
0x74: {  	v4 =	vld [tilespmem:s3+$0x18F70]  }
0x75: {  	v6 =	vld [tilespmem:s3+$0x19F70];
	v0 =	vadd.f32 v2, v0  }
0x76: {  	v7 =	vld [tilespmem:s3+$0x1A770]  }
0x77: {  	v0 =	vadd.f32 v1, v0  }
0x78: {  	s6 =	simm.s32 $0x8  }
0x79: {  	s6 =	simm.s32 @!p0 $0x4000;
	[tilespmem:s3+$0x1AF60] =	vst v0  }
0x7a: {  	s5 =	sor.u32 s5, s6;
	v2 =	vld.idx.msk [tilespmem:v3+s2+$0x0], $0xffff  }
0x7b: {  	s5 =	sshrl.u32 s5, $0x3;
	v3 =	vld.idx.msk [tilespmem:v5+s2+$0x0], $0xffff  }
0x7c: {  	s5 =	sand.u32 $0xF00, s5;
	v4 =	vld.idx.msk [tilespmem:v4+s2+$0x0], $0xffff  }
0x7d: {  	s4 =	sadd.s32 s5, s4;
	v0 =	vld.idx.msk [tilespmem:v6+s2+$0x0], $0xffff  }
0x7e: {  	s6 =	simm.s32 $0x400;
	s5 =	simm.s32 $0x200;
	s4 =	sadd.s32 $0xB800, s4;
	v1 =	vld.idx.msk [tilespmem:v7+s2+$0x0], $0xffff  }
.LBB2_1:
0x7f: {  	p0 =	sne.s32 s6, $0x1E00  }
0x80: {  	s7 =	sshra.s32 s5, $0x2;
	s5 =	smov.u32 s6;
	s6 =	sadd.s32 $0x200, s6  }
0x81: {  	v5 =	vld [tilespmem:s7+$0x18700];
	v2 =	vadd.f32 v4, v2  }
0x82: {  	v4 =	vld [tilespmem:s7+$0x18F00]  }
0x83: {  	v6 =	vld [tilespmem:s7+$0x19700];
	v2 =	vadd.f32 v3, v2  }
0x84: {  	v3 =	vld [tilespmem:s7+$0x19F00]  }
0x85: {  	v0 =	vadd.f32 v0, v2;
	_ =	sdelay $0x1  }
0x86: {  	v0 =	vadd.f32 v1, v0;
	_ =	sdelay $0x1  }
0x87: {  	v1 =	vld [tilespmem:s7+$0x1A700];
	[tilespmem:s3+$0x1AF70] =	vst v0;
	s3 =	smov.u32 s7  }
0x88: {  	v0 =	vld.idx.msk [tilespmem:v4+s2+$0x0], $0xffff  }
0x89: {  	v2 =	vld.idx.msk [tilespmem:v5+s2+$0x0], $0xffff  }
0x8a: {  	v4 =	vld.idx.msk [tilespmem:v6+s2+$0x0], $0xffff;
	_ =	sdelay $0x1  }
0x8b: {  	v3 =	vld.idx.msk [tilespmem:v3+s2+$0x0], $0xffff;
	_ =	sdelay $0x2  }
0x8c: {  	v0 =	vadd.f32 v0, v2;
	v1 =	vld.idx.msk [tilespmem:v1+s2+$0x0], $0xffff  }
0x8d: {  	v2 =	vld [tilespmem:s3+$0x18710]  }
0x8e: {  	v0 =	vadd.f32 v4, v0;
	v4 =	vld [tilespmem:s3+$0x18F10];
	_ =	sdelay $0x1  }
0x8f: {  	v0 =	vadd.f32 v3, v0;
	v3 =	vld [tilespmem:s3+$0x19710];
	_ =	sdelay $0x1  }
0x90: {  	v0 =	vadd.f32 v1, v0;
	v1 =	vld [tilespmem:s3+$0x19F10];
	_ =	sdelay $0x1  }
0x91: {  	[tilespmem:s3+$0x1AF00] =	vst v0;
	v0 =	vld [tilespmem:s3+$0x1A710]  }
0x92: {  	v2 =	vld.idx.msk [tilespmem:v2+s2+$0x0], $0xffff  }
0x93: {  	v4 =	vld.idx.msk [tilespmem:v4+s2+$0x0], $0xffff;
	_ =	sdelay $0x1  }
0x94: {  	v3 =	vld.idx.msk [tilespmem:v3+s2+$0x0], $0xffff;
	_ =	sdelay $0x1  }
0x95: {  	v1 =	vld.idx.msk [tilespmem:v1+s2+$0x0], $0xffff;
	_ =	sdelay $0x1  }
0x96: {  	v2 =	vadd.f32 v4, v2;
	v0 =	vld.idx.msk [tilespmem:v0+s2+$0x0], $0xffff  }
0x97: {  	v4 =	vld [tilespmem:s3+$0x18720]  }
0x98: {  	v2 =	vadd.f32 v3, v2;
	v3 =	vld [tilespmem:s3+$0x18F20];
	_ =	sdelay $0x1  }
0x99: {  	v1 =	vadd.f32 v1, v2;
	v2 =	vld [tilespmem:s3+$0x19720];
	_ =	sdelay $0x1  }
0x9a: {  	v0 =	vadd.f32 v0, v1;
	v1 =	vld [tilespmem:s3+$0x19F20];
	_ =	sdelay $0x1  }
0x9b: {  	[tilespmem:s3+$0x1AF10] =	vst v0;
	v0 =	vld [tilespmem:s3+$0x1A720]  }
0x9c: {  	v4 =	vld.idx.msk [tilespmem:v4+s2+$0x0], $0xffff  }
0x9d: {  	v3 =	vld.idx.msk [tilespmem:v3+s2+$0x0], $0xffff;
	_ =	sdelay $0x1  }
0x9e: {  	v2 =	vld.idx.msk [tilespmem:v2+s2+$0x0], $0xffff;
	_ =	sdelay $0x1  }
0x9f: {  	v1 =	vld.idx.msk [tilespmem:v1+s2+$0x0], $0xffff;
	_ =	sdelay $0x1  }
0xa0: {  	v3 =	vadd.f32 v3, v4;
	v0 =	vld.idx.msk [tilespmem:v0+s2+$0x0], $0xffff  }
0xa1: {  	v4 =	vld [tilespmem:s3+$0x18730]  }
0xa2: {  	v2 =	vadd.f32 v2, v3;
	v3 =	vld [tilespmem:s3+$0x18F30];
	_ =	sdelay $0x1  }
0xa3: {  	v1 =	vadd.f32 v1, v2;
	v2 =	vld [tilespmem:s3+$0x19730];
	_ =	sdelay $0x1  }
0xa4: {  	v0 =	vadd.f32 v0, v1;
	v1 =	vld [tilespmem:s3+$0x19F30];
	_ =	sdelay $0x1  }
0xa5: {  	[tilespmem:s3+$0x1AF20] =	vst v0;
	v0 =	vld [tilespmem:s3+$0x1A730]  }
0xa6: {  	v4 =	vld.idx.msk [tilespmem:v4+s2+$0x0], $0xffff  }
0xa7: {  	v3 =	vld.idx.msk [tilespmem:v3+s2+$0x0], $0xffff;
	_ =	sdelay $0x1  }
0xa8: {  	v2 =	vld.idx.msk [tilespmem:v2+s2+$0x0], $0xffff;
	_ =	sdelay $0x1  }
0xa9: {  	v1 =	vld.idx.msk [tilespmem:v1+s2+$0x0], $0xffff;
	_ =	sdelay $0x1  }
0xaa: {  	v3 =	vadd.f32 v3, v4;
	v0 =	vld.idx.msk [tilespmem:v0+s2+$0x0], $0xffff  }
0xab: {  	v4 =	vld [tilespmem:s3+$0x18740]  }
0xac: {  	v2 =	vadd.f32 v2, v3;
	v3 =	vld [tilespmem:s3+$0x18F40];
	_ =	sdelay $0x1  }
0xad: {  	v1 =	vadd.f32 v1, v2;
	v2 =	vld [tilespmem:s3+$0x19740];
	_ =	sdelay $0x1  }
0xae: {  	v0 =	vadd.f32 v0, v1;
	v1 =	vld [tilespmem:s3+$0x19F40];
	_ =	sdelay $0x1  }
0xaf: {  	[tilespmem:s3+$0x1AF30] =	vst v0;
	v0 =	vld [tilespmem:s3+$0x1A740]  }
0xb0: {  	v4 =	vld.idx.msk [tilespmem:v4+s2+$0x0], $0xffff  }
0xb1: {  	v3 =	vld.idx.msk [tilespmem:v3+s2+$0x0], $0xffff;
	_ =	sdelay $0x1  }
0xb2: {  	v2 =	vld.idx.msk [tilespmem:v2+s2+$0x0], $0xffff;
	_ =	sdelay $0x1  }
0xb3: {  	v1 =	vld.idx.msk [tilespmem:v1+s2+$0x0], $0xffff;
	_ =	sdelay $0x1  }
0xb4: {  	v3 =	vadd.f32 v3, v4;
	v0 =	vld.idx.msk [tilespmem:v0+s2+$0x0], $0xffff  }
0xb5: {  	v4 =	vld [tilespmem:s3+$0x18750]  }
0xb6: {  	v2 =	vadd.f32 v2, v3;
	v3 =	vld [tilespmem:s3+$0x18F50]  }
0xb7: {  	v5 =	vld [tilespmem:s3+$0x19750]  }
0xb8: {  	v1 =	vadd.f32 v1, v2;
	v2 =	vld [tilespmem:s3+$0x19F50]  }
0xb9: {  	v6 =	vld [tilespmem:s3+$0x1A750]  }
0xba: {  	v0 =	vadd.f32 v0, v1;
	_ =	sdelay $0x1  }
0xbb: {  	[tilespmem:s3+$0x1AF40] =	vst v0  }
0xbc: {  	v0 =	vld.idx.msk [tilespmem:v4+s2+$0x0], $0xffff  }
0xbd: {  	v1 =	vld.idx.msk [tilespmem:v3+s2+$0x0], $0xffff  }
0xbe: {  	v3 =	vld.idx.msk [tilespmem:v5+s2+$0x0], $0xffff  }
0xbf: {  	v2 =	vld.idx.msk [tilespmem:v2+s2+$0x0], $0xffff  }
0xc0: {  	v4 =	vld.idx.msk [tilespmem:v6+s2+$0x0], $0xffff;
	_ =	sdelay $0x2  }
0xc1: {  	v0 =	vadd.f32 v1, v0  }
0xc2: {  	v1 =	vld [tilespmem:s3+$0x18760]  }
0xc3: {  	v0 =	vadd.f32 v3, v0;
	v3 =	vld [tilespmem:s3+$0x18F60]  }
0xc4: {  	v5 =	vld [tilespmem:s3+$0x19760]  }
0xc5: {  	v0 =	vadd.f32 v2, v0;
	v2 =	vld [tilespmem:s3+$0x19F60]  }
0xc6: {  	v6 =	vld [tilespmem:s3+$0x1A760]  }
0xc7: {  	v0 =	vadd.f32 v4, v0;
	_ =	sdelay $0x1  }
0xc8: {  	[tilespmem:s3+$0x1AF50] =	vst v0  }
0xc9: {  	v0 =	vld.idx.msk [tilespmem:v1+s2+$0x0], $0xffff  }
0xca: {  	v1 =	vld.idx.msk [tilespmem:v3+s2+$0x0], $0xffff  }
0xcb: {  	v3 =	vld.idx.msk [tilespmem:v5+s2+$0x0], $0xffff  }
0xcc: {  	v2 =	vld.idx.msk [tilespmem:v2+s2+$0x0], $0xffff  }
0xcd: {  	v4 =	vld.idx.msk [tilespmem:v6+s2+$0x0], $0xffff;
	_ =	sdelay $0x2  }
0xce: {  	v0 =	vadd.f32 v1, v0  }
0xcf: {  	v1 =	vld [tilespmem:s3+$0x18770]  }
0xd0: {  	v0 =	vadd.f32 v3, v0;
	v3 =	vld [tilespmem:s3+$0x18F70]  }
0xd1: {  	v5 =	vld [tilespmem:s3+$0x19770]  }
0xd2: {  	v0 =	vadd.f32 v2, v0;
	v6 =	vld [tilespmem:s3+$0x19F70]  }
0xd3: {  	v7 =	vld [tilespmem:s3+$0x1A770]  }
0xd4: {  	v0 =	vadd.f32 v4, v0;
	_ =	sdelay $0x1  }
0xd5: {  	[tilespmem:s3+$0x1AF60] =	vst v0  }
.Ltmp0:
0xd6: {  	v2 =	vld.idx.msk [tilespmem:v1+s2+$0x0], $0xffff;
	(pc) =	sbr.rel @p0 .LBB2_1-.Ltmp0, $4  }
0xd7: {  	v4 =	vld.idx.msk [tilespmem:v3+s2+$0x0], $0xffff  }
0xd8: {  	v3 =	vld.idx.msk [tilespmem:v5+s2+$0x0], $0xffff  }
0xd9: {  	v0 =	vld.idx.msk [tilespmem:v6+s2+$0x0], $0xffff  }
0xda: {  	v1 =	vld.idx.msk [tilespmem:v7+s2+$0x0], $0xffff  }
0xdb: {  	_ = 	snop  }
0xdc: {  	s5 =	sshra.s32 s5, $0x2;
	v2 =	vadd.f32 v4, v2  }
0xdd: {  	v14 =	vld [tilespmem:s5+$0x18F00]  }
0xde: {  	v5 =	vld [tilespmem:s5+$0x18700];
	v2 =	vadd.f32 v3, v2;
	_ =	sdelay $0x1  }
0xdf: {  	v15 =	vld [tilespmem:s5+$0x19700];
	v0 =	vadd.f32 v0, v2;
	_ =	sdelay $0x1  }
0xe0: {  	v16 =	vld [tilespmem:s5+$0x19F00];
	v0 =	vadd.f32 v1, v0  }
0xe1: {  	v17 =	vld [tilespmem:s5+$0x1A700]  }
0xe2: {  	[tilespmem:s3+$0x1AF70] =	vst v0  }
0xe3: {  	v0 =	vld.idx.msk [tilespmem:v14+s2+$0x0], $0xffff  }
0xe4: {  	v18 =	vld.idx.msk [tilespmem:v5+s2+$0x0], $0xffff;
	_ =	sdelay $0x1  }
0xe5: {  	v3 =	vld.idx.msk [tilespmem:v15+s2+$0x0], $0xffff;
	_ =	sdelay $0x1  }
0xe6: {  	v2 =	vld.idx.msk [tilespmem:v16+s2+$0x0], $0xffff  }
0xe7: {  	v1 =	vld.idx.msk [tilespmem:v17+s2+$0x0], $0xffff;
	v0 =	vadd.f32 v0, v18  }
0xe8: {  	v19 =	vld [tilespmem:s5+$0x18710]  }
0xe9: {  	v20 =	vld [tilespmem:s5+$0x18F10];
	v0 =	vadd.f32 v3, v0;
	_ =	sdelay $0x1  }
0xea: {  	v21 =	vld [tilespmem:s5+$0x19710];
	v0 =	vadd.f32 v2, v0;
	_ =	sdelay $0x1  }
0xeb: {  	v22 =	vld [tilespmem:s5+$0x19F10];
	v0 =	vadd.f32 v1, v0;
	_ =	sdelay $0x1  }
0xec: {  	v23 =	vld [tilespmem:s5+$0x1A710];
	[tilespmem:s5+$0x1AF00] =	vst v0  }
0xed: {  	v0 =	vld.idx.msk [tilespmem:v19+s2+$0x0], $0xffff  }
0xee: {  	v3 =	vld.idx.msk [tilespmem:v20+s2+$0x0], $0xffff;
	_ =	sdelay $0x1  }
0xef: {  	v2 =	vld.idx.msk [tilespmem:v21+s2+$0x0], $0xffff;
	_ =	sdelay $0x1  }
0xf0: {  	v1 =	vld.idx.msk [tilespmem:v22+s2+$0x0], $0xffff  }
0xf1: {  	v25 =	vld [tilespmem:s5+$0x18720];
	v0 =	vadd.f32 v3, v0  }
0xf2: {  	v24 =	vld.idx.msk [tilespmem:v23+s2+$0x0], $0xffff  }
0xf3: {  	v26 =	vld [tilespmem:s5+$0x18F20];
	v0 =	vadd.f32 v2, v0;
	_ =	sdelay $0x1  }
0xf4: {  	v27 =	vld [tilespmem:s5+$0x19720];
	v0 =	vadd.f32 v1, v0;
	_ =	sdelay $0x1  }
0xf5: {  	v28 =	vld [tilespmem:s5+$0x19F20];
	v0 =	vadd.f32 v24, v0;
	_ =	sdelay $0x1  }
0xf6: {  	v29 =	vld [tilespmem:s5+$0x1A720];
	[tilespmem:s5+$0x1AF10] =	vst v0  }
0xf7: {  	v0 =	vld.idx.msk [tilespmem:v25+s2+$0x0], $0xffff  }
0xf8: {  	v2 =	vld.idx.msk [tilespmem:v26+s2+$0x0], $0xffff;
	_ =	sdelay $0x1  }
0xf9: {  	v1 =	vld.idx.msk [tilespmem:v27+s2+$0x0], $0xffff;
	_ =	sdelay $0x1  }
0xfa: {  	v3 =	vld.idx.msk [tilespmem:v28+s2+$0x0], $0xffff  }
0xfb: {  	v31 =	vld [tilespmem:s5+$0x18730];
	v0 =	vadd.f32 v2, v0  }
0xfc: {  	v30 =	vld.idx.msk [tilespmem:v29+s2+$0x0], $0xffff  }
0xfd: {  	v32 =	vld [tilespmem:s5+$0x18F30];
	v0 =	vadd.f32 v1, v0;
	_ =	sdelay $0x1  }
0xfe: {  	v33 =	vld [tilespmem:s5+$0x19730];
	v0 =	vadd.f32 v3, v0;
	_ =	sdelay $0x1  }
0xff: {  	v34 =	vld [tilespmem:s5+$0x19F30];
	v0 =	vadd.f32 v30, v0;
	_ =	sdelay $0x1  }
0x100: {  	v35 =	vld [tilespmem:s5+$0x1A730];
	[tilespmem:s5+$0x1AF20] =	vst v0  }
0x101: {  	v0 =	vld.idx.msk [tilespmem:v31+s2+$0x0], $0xffff  }
0x102: {  	v1 =	vld.idx.msk [tilespmem:v32+s2+$0x0], $0xffff;
	_ =	sdelay $0x1  }
0x103: {  	v3 =	vld.idx.msk [tilespmem:v33+s2+$0x0], $0xffff;
	_ =	sdelay $0x1  }
0x104: {  	v2 =	vld.idx.msk [tilespmem:v34+s2+$0x0], $0xffff  }
0x105: {  	v37 =	vld [tilespmem:s5+$0x18740];
	v0 =	vadd.f32 v1, v0  }
0x106: {  	v36 =	vld.idx.msk [tilespmem:v35+s2+$0x0], $0xffff  }
0x107: {  	v38 =	vld [tilespmem:s5+$0x18F40];
	v0 =	vadd.f32 v3, v0;
	_ =	sdelay $0x1  }
0x108: {  	v39 =	vld [tilespmem:s5+$0x19740];
	v0 =	vadd.f32 v2, v0;
	_ =	sdelay $0x1  }
0x109: {  	v40 =	vld [tilespmem:s5+$0x19F40];
	v0 =	vadd.f32 v36, v0;
	_ =	sdelay $0x1  }
0x10a: {  	v41 =	vld [tilespmem:s5+$0x1A740];
	[tilespmem:s5+$0x1AF30] =	vst v0  }
0x10b: {  	v0 =	vld.idx.msk [tilespmem:v37+s2+$0x0], $0xffff  }
0x10c: {  	v3 =	vld.idx.msk [tilespmem:v38+s2+$0x0], $0xffff;
	_ =	sdelay $0x1  }
0x10d: {  	v2 =	vld.idx.msk [tilespmem:v39+s2+$0x0], $0xffff;
	_ =	sdelay $0x1  }
0x10e: {  	v1 =	vld.idx.msk [tilespmem:v40+s2+$0x0], $0xffff  }
0x10f: {  	v43 =	vld [tilespmem:s5+$0x18750];
	v0 =	vadd.f32 v3, v0  }
0x110: {  	v42 =	vld.idx.msk [tilespmem:v41+s2+$0x0], $0xffff  }
0x111: {  	v44 =	vld [tilespmem:s5+$0x18F50];
	v0 =	vadd.f32 v2, v0;
	_ =	sdelay $0x1  }
0x112: {  	v45 =	vld [tilespmem:s5+$0x19750];
	v0 =	vadd.f32 v1, v0;
	_ =	sdelay $0x1  }
0x113: {  	v46 =	vld [tilespmem:s5+$0x19F50];
	v0 =	vadd.f32 v42, v0;
	_ =	sdelay $0x1  }
0x114: {  	v47 =	vld [tilespmem:s5+$0x1A750];
	[tilespmem:s5+$0x1AF40] =	vst v0  }
0x115: {  	v0 =	vld.idx.msk [tilespmem:v43+s2+$0x0], $0xffff  }
0x116: {  	v2 =	vld.idx.msk [tilespmem:v44+s2+$0x0], $0xffff;
	_ =	sdelay $0x1  }
0x117: {  	v48 =	vld.idx.msk [tilespmem:v45+s2+$0x0], $0xffff;
	_ =	sdelay $0x1  }
0x118: {  	v1 =	vld.idx.msk [tilespmem:v46+s2+$0x0], $0xffff  }
0x119: {  	v49 =	vld [tilespmem:s5+$0x18760];
	v0 =	vadd.f32 v2, v0  }
0x11a: {  	v3 =	vld.idx.msk [tilespmem:v47+s2+$0x0], $0xffff  }
0x11b: {  	v50 =	vld [tilespmem:s5+$0x18F60];
	v0 =	vadd.f32 v48, v0;
	_ =	sdelay $0x1  }
0x11c: {  	v51 =	vld [tilespmem:s5+$0x19760];
	v0 =	vadd.f32 v1, v0;
	_ =	sdelay $0x1  }
0x11d: {  	v52 =	vld [tilespmem:s5+$0x19F60];
	v0 =	vadd.f32 v3, v0;
	_ =	sdelay $0x1  }
0x11e: {  	v53 =	vld [tilespmem:s5+$0x1A760];
	[tilespmem:s5+$0x1AF50] =	vst v0  }
0x11f: {  	v0 =	vld.idx.msk [tilespmem:v49+s2+$0x0], $0xffff  }
0x120: {  	v54 =	vld.idx.msk [tilespmem:v50+s2+$0x0], $0xffff;
	_ =	sdelay $0x1  }
0x121: {  	v55 =	vld.idx.msk [tilespmem:v51+s2+$0x0], $0xffff;
	_ =	sdelay $0x1  }
0x122: {  	v1 =	vld.idx.msk [tilespmem:v52+s2+$0x0], $0xffff  }
0x123: {  	v56 =	vld [tilespmem:s5+$0x18770];
	v0 =	vadd.f32 v54, v0  }
0x124: {  	v3 =	vld.idx.msk [tilespmem:v53+s2+$0x0], $0xffff  }
0x125: {  	v57 =	vld [tilespmem:s5+$0x18F70];
	v0 =	vadd.f32 v55, v0;
	_ =	sdelay $0x1  }
0x126: {  	v58 =	vld [tilespmem:s5+$0x19770];
	v0 =	vadd.f32 v1, v0;
	_ =	sdelay $0x1  }
0x127: {  	v59 =	vld [tilespmem:s5+$0x19F70];
	v0 =	vadd.f32 v3, v0;
	_ =	sdelay $0x1  }
0x128: {  	v60 =	vld [tilespmem:s5+$0x1A770];
	[tilespmem:s5+$0x1AF60] =	vst v0  }
0x129: {  	v0 =	vld.idx.msk [tilespmem:v56+s2+$0x0], $0xffff  }
0x12a: {  	v61 =	vld.idx.msk [tilespmem:v57+s2+$0x0], $0xffff;
	_ =	sdelay $0x1  }
0x12b: {  	v62 =	vld.idx.msk [tilespmem:v58+s2+$0x0], $0xffff;
	_ =	sdelay $0x1  }
0x12c: {  	v1 =	vld.idx.msk [tilespmem:v59+s2+$0x0], $0xffff  }
0x12d: {  	v0 =	vadd.f32 v61, v0  }
0x12e: {  	v63 =	vld.idx.msk [tilespmem:v60+s2+$0x0], $0xffff  }
0x12f: {  	v0 =	vadd.f32 v62, v0;
	_ =	sdelay $0x1  }
0x130: {  	v0 =	vadd.f32 v1, v0;
	_ =	sdelay $0x1  }
0x131: {  	v0 =	vadd.f32 v63, v0;
	_ =	sdelay $0x1  }
0x132: {  	s29 =	simm.s32 $0x0;
	s30 =	simm.s32 $0x1AF00;
	s31 =	simm.s32 $0x3;
	[tilespmem:s5+$0x1AF70] =	vst v0  }
0x133: {  	[hbm4b:s4+s29] =	stream.linear.scatter [tilespmem:s30], [sflag:$0x3], $0x800, $0x38;
	[tilespmem:$0x1B700] =	vst v63  }
0x134: {  	_ =	swait.ge [sflag:s31], $0x800  }
0x135: {  	[sflag:s31] =	ssyncset.done $0x0  }
0x136: {  	[sflag:s31] =	ssyncadd.s32 $0xFFFFF800  }
0x137: {  	_ =	sfence.sel $0x180000  }
0x138: {  	[bflag:$0x0] =	sbarrier.arrive $0xFFFF  }
0x139: {  	p0 =	sne.s32 s1, $0x0;
	_ =	strace $0x90000047  }
0x13a: {  	s0 =	sadd.s32 @!p0 $0x100000, s0;
	[bflag:$0x2] =	sbarrier.arrive $0xFFFF  }
0x13b: {  	[sflag:s0] =	ssyncadd.tile.s32 @!p0 $0x1;
	_ =	shalt  }
.Lfunc_end2:
_tile_overlayer_lowered:
.L_overlay_start_2:
0x13c: {  	(tag) =	ssettag $0x2  }
0x13d: {  	s0 =	rddreg [dreg:$0x0];
	s2 =	stileid.u32  }
0x13e: {  	s1 =	rddreg [dreg:$0x1];
	p0 =	sne.s32 s2, $0x0  }
0x13f: {  	s3 =	rddreg [dreg:$0x2];
	[bflag:$0x3] =	sbarrier.arrive $0xFFFF;
	s2 =	simm.s32 @!p0 $0x1C03  }
0x140: {  	[timem:s3], [sflag:s2] =	dma.local @!p0 [hbm:s0], s1  }
0x141: {  	s0 =	simm.s32 @!p0 $0x3  }
0x142: {  	_ =	swait.ge @!p0 [sflag:s0], s1  }
0x143: {  	s1 =	ssub.s32 @!p0 $0x0, s1;
	[sflag:s0] =	ssyncset.done @!p0 $0x0  }
0x144: {  	[sflag:s0] =	ssyncadd.s32 @!p0 s1  }
0x145: {  	[bflag:$0x3] =	sbarrier.arrive $0xFFFF  }
0x146: {  	_ =	shalt  }

</sc_bundles>
